<compile_context>
chip_gen: v7x
topology: tpu7x:2x2x1
jax: 0.10.2.dev20260603
libtpu: 0.0.44.dev20260713+nightly
codegen_flags: <defaults>
</compile_context>

<pallas_src>
import functools

import jax
import jax.numpy as jnp
from jax import lax
from jax.experimental import pallas as pl
from jax.experimental.pallas import tpu as pltpu
from jax.experimental.pallas import tpu_sc as plsc

NC = 2
NS = 16
NW = NC * NS
L = 16


@functools.lru_cache(maxsize=None)
def _build(B, F, V, D):
    assert D == NW, "one embedding dim per vector subcore"
    BH = B // 2
    assert BH % L == 0
    SPLIT = (V // 2) // 128 * 128
    VHI = V - SPLIT

    mesh = plsc.VectorSubcoreMesh(core_axis_name="c", subcore_axis_name="s")

    @functools.partial(
        pl.kernel,
        out_type=jax.ShapeDtypeStruct((F * D, B), jnp.float32),
        mesh=mesh,
        compiler_params=pltpu.CompilerParams(needs_layout_passes=False),
        scratch_types=[
            pltpu.VMEM((SPLIT,), jnp.float32),
            pltpu.VMEM((VHI,), jnp.float32),
            pltpu.VMEM((BH,), jnp.float32),
            pltpu.VMEM((BH,), jnp.float32),
            pltpu.SemaphoreType.DMA,
            pltpu.SemaphoreType.DMA,
            pltpu.SemaphoreType.DMA,
            pltpu.SemaphoreType.DMA,
            pltpu.SemaphoreType.DMA,
            pltpu.SemaphoreType.DMA,
        ],
    )
    def col_gather(cat_hbm, tab_hbm, out_hbm, lo_v, hi_v, buf_a, buf_b,
                   sem_lo, sem_hi, sem_ia, sem_ib, sem_oa, sem_ob):
        cid = lax.axis_index("c")
        sid = lax.axis_index("s")
        d = cid * NS + sid

        def lo_src(f):
            return tab_hbm.at[f, d, pl.ds(0, SPLIT)]

        def hi_src(f):
            return tab_hbm.at[f, d, pl.ds(SPLIT, VHI)]

        def idx_src(f, h):
            return cat_hbm.at[f, pl.ds(h * BH, BH)]

        def out_dst(f, h):
            return out_hbm.at[f * D + d, pl.ds(h * BH, BH)]

        def pass_lo(buf):
            @plsc.parallel_loop(0, BH, L, unroll=16)
            def body(k):
                ivf = buf[pl.ds(k, L)]
                iv = plsc.bitcast(ivf, jnp.int32)
                m = iv < SPLIT
                g = plsc.load_gather(lo_v, [iv], mask=m)
                buf[pl.ds(k, L)] = lax.select(m, g, ivf)

        def pass_hi(buf):
            @plsc.parallel_loop(0, BH, L, unroll=16)
            def body(k):
                ivf = buf[pl.ds(k, L)]
                iv = plsc.bitcast(ivf, jnp.int32)
                m = (iv >= SPLIT) & (iv < V)
                g = plsc.load_gather(hi_v, [iv - SPLIT], mask=m)
                buf[pl.ds(k, L)] = lax.select(m, g, ivf)

        pltpu.async_copy(lo_src(0), lo_v, sem_lo)
        pltpu.async_copy(hi_src(0), hi_v, sem_hi)
        pltpu.async_copy(idx_src(0, 0), buf_a, sem_ia)

        def do_field(f, carry):
            @pl.when(f > 0)
            def _():
                pltpu.make_async_copy(buf_b, out_dst(f - 1, 1), sem_ob).wait()
            pltpu.async_copy(idx_src(f, 1), buf_b, sem_ib)

            pltpu.make_async_copy(idx_src(f, 0), buf_a, sem_ia).wait()
            pltpu.make_async_copy(lo_src(f), lo_v, sem_lo).wait()
            pass_lo(buf_a)
            pltpu.make_async_copy(idx_src(f, 1), buf_b, sem_ib).wait()
            pass_lo(buf_b)

            @pl.when(f < F - 1)
            def _():
                pltpu.async_copy(lo_src(f + 1), lo_v, sem_lo)

            pltpu.make_async_copy(hi_src(f), hi_v, sem_hi).wait()
            pass_hi(buf_a)
            pltpu.async_copy(buf_a, out_dst(f, 0), sem_oa)
            pass_hi(buf_b)

            @pl.when(f < F - 1)
            def _():
                pltpu.async_copy(hi_src(f + 1), hi_v, sem_hi)
            pltpu.async_copy(buf_b, out_dst(f, 1), sem_ob)

            pltpu.make_async_copy(buf_a, out_dst(f, 0), sem_oa).wait()

            @pl.when(f < F - 1)
            def _():
                pltpu.async_copy(idx_src(f + 1, 0), buf_a, sem_ia)
            return carry

        lax.fori_loop(0, F, do_field, 0)
        pltpu.make_async_copy(buf_b, out_dst(F - 1, 1), sem_ob).wait()

    return col_gather


def kernel(categorical_features, tables):
    B, F = categorical_features.shape
    Ft, V, D = tables.shape
    assert Ft == F
    cat_f32 = lax.bitcast_convert_type(
        categorical_features.astype(jnp.int32), jnp.float32)
    cat_t = cat_f32.T
    tab_t = jnp.transpose(tables, (0, 2, 1))
    out_t = _build(B, F, V, D)(cat_t, tab_t)
    return out_t.T

# --- scband reference (transcript-rebuilt; emitter-appended) ---
"""Pipeline reference for scband-categorical-embeddings-63402307224205 (READ-ONLY COPY).

The authoritative reference and input builder live on the scoring server;
editing this copy changes nothing except your own understanding.
"""

import jax, jax.numpy as jnp
import numpy as np

B = 16384
F = 26
V = 100000
D = 32

def setup_inputs(seed: int = 0) -> dict:
    key = jax.random.key(seed)
    k1, k2 = jax.random.split(key)
    categorical_features = jax.random.randint(k1, (B, F), 0, V, dtype=jnp.int64) if jax.config.jax_enable_x64 else jax.random.randint(k1, (B, F), 0, V, dtype=jnp.int32)
    # Stacked embedding tables: one [V, D] table per field, all same shape -> [F, V, D]
    tables = jax.random.normal(k2, (F, V, D), dtype=jnp.float32)
    # padding_idx=0: row 0 of every table is zero (matches nn.Embedding(padding_idx=0))
    tables = tables.at[:, 0, :].set(0.0)
    return {"categorical_features": categorical_features, "tables": tables}

def reference(categorical_features, tables):
    # Per-field embedding lookup: for field i, tables[i][indices[:, i]]
    # idx_t: [F, B, 1]; gather along vocab axis of tables [F, V, D] -> [F, B, D]
    idx_t = categorical_features.T[:, :, None]
    emb = jnp.take_along_axis(tables, idx_t, axis=1)  # [F, B, D]
    # Concatenate per-field embeddings along feature dim -> [B, F*D]
    out = jnp.transpose(emb, (1, 0, 2)).reshape(categorical_features.shape[0], F * D)
    # dropout=0.0 (eval / identity)
    return out

if __name__ == "__main__":
    import jax
    _d = setup_inputs()
    print(jax.jit(kernel)(*tuple(_d.values())))

</pallas_src>

<mosaic_0001>
#map = affine_map<(d0, d1) -> (0, 0)>
#map1 = affine_map<(d0, d1) -> (0, 0, 0)>
module attributes {stable_mosaic.version = 14 : i64} {
  func.func @col_gather(%arg0: i32, %arg1: i32, %arg2: memref<26x16384xf32, #tpu.memory_space<hbm>>, %arg3: memref<26x32x100000xf32, #tpu.memory_space<hbm>>, %arg4: memref<832x16384xf32, #tpu.memory_space<hbm>>, %arg5: memref<49920xf32, #tpu.memory_space<vmem>>, %arg6: memref<50080xf32, #tpu.memory_space<vmem>>, %arg7: memref<8192xf32, #tpu.memory_space<vmem>>, %arg8: memref<8192xf32, #tpu.memory_space<vmem>>, %arg9: memref<!tpu.dma_semaphore, #tpu.memory_space<semaphore_mem>>, %arg10: memref<!tpu.dma_semaphore, #tpu.memory_space<semaphore_mem>>, %arg11: memref<!tpu.dma_semaphore, #tpu.memory_space<semaphore_mem>>, %arg12: memref<!tpu.dma_semaphore, #tpu.memory_space<semaphore_mem>>, %arg13: memref<!tpu.dma_semaphore, #tpu.memory_space<semaphore_mem>>, %arg14: memref<!tpu.dma_semaphore, #tpu.memory_space<semaphore_mem>>) attributes {dimension_semantics = [#tpu.dimension_semantics<core_parallel>, #tpu.dimension_semantics<subcore_parallel>], iteration_bounds = array<i64: 2, 16>, scalar_prefetch = 0 : i64, scratch_operands = 10 : i64, tpu.core_type = #tpu.core_type<sc_vector_subcore>, window_params = [{transform_indices = #map}, {transform_indices = #map1}, {transform_indices = #map}]} {
    %mul3A = arith.constant 16 : i32
    %mul3A_0 = arith.muli %arg0, %mul3A : i32
    %add3A = arith.addi %mul3A_0, %arg1 : i32
    %dma_start3A = arith.constant 0 : i32
    %dma_start3A_1 = arith.constant 0 : i32
    %dma_start3A_2 = tpu.memref_slice %arg3[%dma_start3A, %add3A, %dma_start3A_1] : memref<26x32x100000xf32, #tpu.memory_space<hbm>> -> memref<1x1x49920xf32, #tpu.memory_space<hbm>>
    %dma_start3A_3 = tpu.memref_squeeze %dma_start3A_2 : memref<1x1x49920xf32, #tpu.memory_space<hbm>> -> memref<49920xf32, #tpu.memory_space<hbm>>
    %dma_start3A_4 = arith.constant 0 : i32
    %dma_start3A_5 = tpu.memref_slice %arg3[%dma_start3A, %add3A, %dma_start3A_4] : memref<26x32x100000xf32, #tpu.memory_space<hbm>> -> memref<1x1x49920xf32, #tpu.memory_space<hbm>>
    %dma_start3A_6 = tpu.memref_squeeze %dma_start3A_5 : memref<1x1x49920xf32, #tpu.memory_space<hbm>> -> memref<49920xf32, #tpu.memory_space<hbm>>
    tpu.enqueue_dma source(%dma_start3A_6 : memref<49920xf32, #tpu.memory_space<hbm>>) target(%arg5 : memref<49920xf32, #tpu.memory_space<vmem>>) target_semaphore(%arg9 : memref<!tpu.dma_semaphore, #tpu.memory_space<semaphore_mem>>)
    %dma_start3A_7 = arith.constant 0 : i32
    %dma_start3A_8 = arith.constant 49920 : i32
    %dma_start3A_9 = tpu.memref_slice %arg3[%dma_start3A_7, %add3A, %dma_start3A_8] : memref<26x32x100000xf32, #tpu.memory_space<hbm>> -> memref<1x1x50080xf32, #tpu.memory_space<hbm>>
    %dma_start3A_10 = tpu.memref_squeeze %dma_start3A_9 : memref<1x1x50080xf32, #tpu.memory_space<hbm>> -> memref<50080xf32, #tpu.memory_space<hbm>>
    %dma_start3A_11 = arith.constant 49920 : i32
    %dma_start3A_12 = tpu.memref_slice %arg3[%dma_start3A_7, %add3A, %dma_start3A_11] : memref<26x32x100000xf32, #tpu.memory_space<hbm>> -> memref<1x1x50080xf32, #tpu.memory_space<hbm>>
    %dma_start3A_13 = tpu.memref_squeeze %dma_start3A_12 : memref<1x1x50080xf32, #tpu.memory_space<hbm>> -> memref<50080xf32, #tpu.memory_space<hbm>>
    tpu.enqueue_dma source(%dma_start3A_13 : memref<50080xf32, #tpu.memory_space<hbm>>) target(%arg6 : memref<50080xf32, #tpu.memory_space<vmem>>) target_semaphore(%arg10 : memref<!tpu.dma_semaphore, #tpu.memory_space<semaphore_mem>>)
    %dma_start3A_14 = arith.constant 0 : i32
    %dma_start3A_15 = arith.constant 0 : i32
    %dma_start3A_16 = tpu.memref_slice %arg2[%dma_start3A_14, %dma_start3A_15] : memref<26x16384xf32, #tpu.memory_space<hbm>> -> memref<1x8192xf32, #tpu.memory_space<hbm>>
    %dma_start3A_17 = tpu.memref_squeeze %dma_start3A_16 : memref<1x8192xf32, #tpu.memory_space<hbm>> -> memref<8192xf32, #tpu.memory_space<hbm>>
    %dma_start3A_18 = arith.constant 0 : i32
    %dma_start3A_19 = tpu.memref_slice %arg2[%dma_start3A_14, %dma_start3A_18] : memref<26x16384xf32, #tpu.memory_space<hbm>> -> memref<1x8192xf32, #tpu.memory_space<hbm>>
    %dma_start3A_20 = tpu.memref_squeeze %dma_start3A_19 : memref<1x8192xf32, #tpu.memory_space<hbm>> -> memref<8192xf32, #tpu.memory_space<hbm>>
    tpu.enqueue_dma source(%dma_start3A_20 : memref<8192xf32, #tpu.memory_space<hbm>>) target(%arg7 : memref<8192xf32, #tpu.memory_space<vmem>>) target_semaphore(%arg11 : memref<!tpu.dma_semaphore, #tpu.memory_space<semaphore_mem>>)
    %scan3A = arith.constant 0 : i32
    %scan3A_21 = arith.constant 0 : i32
    %scan3A_22 = arith.constant 26 : i32
    %scan3A_23 = arith.addi %scan3A_21, %scan3A_22 : i32
    %scan3A_24 = arith.constant 1 : i32
    scf.for %scan3A_33 = %scan3A_21 to %scan3A_23 step %scan3A_24  : i32 {
      %gt3A = arith.constant 0 : i32
      %gt3A_34 = arith.cmpi sgt, %scan3A_33, %gt3A : i32
      %convert_element_type3A = arith.extui %gt3A_34 : i1 to i32
      %cond3A = arith.constant 0 : i32
      %cond3A_35 = arith.cmpi ne, %convert_element_type3A, %cond3A : i32
      scf.if %cond3A_35 {
        %sub3A = arith.constant 1 : i32
        %sub3A_118 = arith.subi %scan3A_33, %sub3A : i32
        %mul3A_119 = arith.constant 32 : i32
        %mul3A_120 = arith.muli %sub3A_118, %mul3A_119 : i32
        %add3A_121 = arith.addi %mul3A_120, %add3A : i32
        %dma_wait3A_122 = arith.constant 8192 : i32
        %dma_wait3A_123 = tpu.memref_slice %arg4[%add3A_121, %dma_wait3A_122] : memref<832x16384xf32, #tpu.memory_space<hbm>> -> memref<1x8192xf32, #tpu.memory_space<hbm>>
        %dma_wait3A_124 = tpu.memref_squeeze %dma_wait3A_123 : memref<1x8192xf32, #tpu.memory_space<hbm>> -> memref<8192xf32, #tpu.memory_space<hbm>>
        %dma_wait3A_125 = arith.constant 8192 : i32
        %dma_wait3A_126 = tpu.memref_slice %arg4[%add3A_121, %dma_wait3A_125] : memref<832x16384xf32, #tpu.memory_space<hbm>> -> memref<1x8192xf32, #tpu.memory_space<hbm>>
        %dma_wait3A_127 = tpu.memref_squeeze %dma_wait3A_126 : memref<1x8192xf32, #tpu.memory_space<hbm>> -> memref<8192xf32, #tpu.memory_space<hbm>>
        tpu.wait_dma2 semaphore(%arg14 : memref<!tpu.dma_semaphore, #tpu.memory_space<semaphore_mem>>) src(%arg8 : memref<8192xf32, #tpu.memory_space<vmem>>) dst(%dma_wait3A_127 : memref<8192xf32, #tpu.memory_space<hbm>>)
      } else {
      }
      %dma_start3A_36 = arith.constant 8192 : i32
      %dma_start3A_37 = tpu.memref_slice %arg2[%scan3A_33, %dma_start3A_36] : memref<26x16384xf32, #tpu.memory_space<hbm>> -> memref<1x8192xf32, #tpu.memory_space<hbm>>
      %dma_start3A_38 = tpu.memref_squeeze %dma_start3A_37 : memref<1x8192xf32, #tpu.memory_space<hbm>> -> memref<8192xf32, #tpu.memory_space<hbm>>
      %dma_start3A_39 = arith.constant 8192 : i32
      %dma_start3A_40 = tpu.memref_slice %arg2[%scan3A_33, %dma_start3A_39] : memref<26x16384xf32, #tpu.memory_space<hbm>> -> memref<1x8192xf32, #tpu.memory_space<hbm>>
      %dma_start3A_41 = tpu.memref_squeeze %dma_start3A_40 : memref<1x8192xf32, #tpu.memory_space<hbm>> -> memref<8192xf32, #tpu.memory_space<hbm>>
      tpu.enqueue_dma source(%dma_start3A_41 : memref<8192xf32, #tpu.memory_space<hbm>>) target(%arg8 : memref<8192xf32, #tpu.memory_space<vmem>>) target_semaphore(%arg12 : memref<!tpu.dma_semaphore, #tpu.memory_space<semaphore_mem>>)
      %dma_wait3A_42 = arith.constant 0 : i32
      %dma_wait3A_43 = tpu.memref_slice %arg2[%scan3A_33, %dma_wait3A_42] : memref<26x16384xf32, #tpu.memory_space<hbm>> -> memref<1x8192xf32, #tpu.memory_space<hbm>>
      %dma_wait3A_44 = tpu.memref_squeeze %dma_wait3A_43 : memref<1x8192xf32, #tpu.memory_space<hbm>> -> memref<8192xf32, #tpu.memory_space<hbm>>
      %dma_wait3A_45 = arith.constant 0 : i32
      %dma_wait3A_46 = tpu.memref_slice %arg2[%scan3A_33, %dma_wait3A_45] : memref<26x16384xf32, #tpu.memory_space<hbm>> -> memref<1x8192xf32, #tpu.memory_space<hbm>>
      %dma_wait3A_47 = tpu.memref_squeeze %dma_wait3A_46 : memref<1x8192xf32, #tpu.memory_space<hbm>> -> memref<8192xf32, #tpu.memory_space<hbm>>
      tpu.wait_dma2 semaphore(%arg11 : memref<!tpu.dma_semaphore, #tpu.memory_space<semaphore_mem>>) src(%dma_wait3A_47 : memref<8192xf32, #tpu.memory_space<hbm>>) dst(%arg7 : memref<8192xf32, #tpu.memory_space<vmem>>)
      %dma_wait3A_48 = arith.constant 0 : i32
      %dma_wait3A_49 = tpu.memref_slice %arg3[%scan3A_33, %add3A, %dma_wait3A_48] : memref<26x32x100000xf32, #tpu.memory_space<hbm>> -> memref<1x1x49920xf32, #tpu.memory_space<hbm>>
      %dma_wait3A_50 = tpu.memref_squeeze %dma_wait3A_49 : memref<1x1x49920xf32, #tpu.memory_space<hbm>> -> memref<49920xf32, #tpu.memory_space<hbm>>
      %dma_wait3A_51 = arith.constant 0 : i32
      %dma_wait3A_52 = tpu.memref_slice %arg3[%scan3A_33, %add3A, %dma_wait3A_51] : memref<26x32x100000xf32, #tpu.memory_space<hbm>> -> memref<1x1x49920xf32, #tpu.memory_space<hbm>>
      %dma_wait3A_53 = tpu.memref_squeeze %dma_wait3A_52 : memref<1x1x49920xf32, #tpu.memory_space<hbm>> -> memref<49920xf32, #tpu.memory_space<hbm>>
      tpu.wait_dma2 semaphore(%arg9 : memref<!tpu.dma_semaphore, #tpu.memory_space<semaphore_mem>>) src(%dma_wait3A_53 : memref<49920xf32, #tpu.memory_space<hbm>>) dst(%arg5 : memref<49920xf32, #tpu.memory_space<vmem>>)
      %parallel_loop3A = arith.constant 0 : i32
      %parallel_loop3A_54 = arith.constant 8192 : i32
      %parallel_loop3A_55 = arith.constant 16 : i32
      scf.for %parallel_loop3A_118 = %parallel_loop3A to %parallel_loop3A_54 step %parallel_loop3A_55  : i32 {
        %parallel_loop3A_119 = arith.index_cast %parallel_loop3A_118 : i32 to index
        %parallel_loop3A_120 = tpu.vector_load %arg7[%parallel_loop3A_119] {strides = array<i32>} : memref<8192xf32, #tpu.memory_space<vmem>>, vector<16xf32>,
        %parallel_loop3A_121 = vector.bitcast %parallel_loop3A_120 : vector<16xf32> to vector<16xi32>
        %parallel_loop3A_122 = arith.constant 49920 : i32
        %parallel_loop3A_123 = vector.broadcast %parallel_loop3A_122 : i32 to vector<16xi32>
        %parallel_loop3A_124 = arith.cmpi slt, %parallel_loop3A_121, %parallel_loop3A_123 : vector<16xi32>
        %parallel_loop3A_125 = tpu.vector_load_idx %arg5[%parallel_loop3A_121] masked %parallel_loop3A_124 : memref<49920xf32, #tpu.memory_space<vmem>>[vector<16xi32>], vector<16xf32>, vector<16xi1>
        %parallel_loop3A_126 = arith.select %parallel_loop3A_124, %parallel_loop3A_125, %parallel_loop3A_120 : vector<16xi1>, vector<16xf32>
        %parallel_loop3A_127 = arith.index_cast %parallel_loop3A_118 : i32 to index
        %parallel_loop3A_128 = tpu.vector_load %arg7[%parallel_loop3A_127] {strides = array<i32>} : memref<8192xf32, #tpu.memory_space<vmem>>, vector<16xf32>,
        tpu.vector_store %arg7[%parallel_loop3A_127], %parallel_loop3A_126 {strides = array<i32>} : memref<8192xf32, #tpu.memory_space<vmem>>, vector<16xf32>,
      } {sc.loop_unroll_factor = 16 : i64, sc.parallel_access}
      %dma_wait3A_56 = arith.constant 8192 : i32
      %dma_wait3A_57 = tpu.memref_slice %arg2[%scan3A_33, %dma_wait3A_56] : memref<26x16384xf32, #tpu.memory_space<hbm>> -> memref<1x8192xf32, #tpu.memory_space<hbm>>
      %dma_wait3A_58 = tpu.memref_squeeze %dma_wait3A_57 : memref<1x8192xf32, #tpu.memory_space<hbm>> -> memref<8192xf32, #tpu.memory_space<hbm>>
      %dma_wait3A_59 = arith.constant 8192 : i32
      %dma_wait3A_60 = tpu.memref_slice %arg2[%scan3A_33, %dma_wait3A_59] : memref<26x16384xf32, #tpu.memory_space<hbm>> -> memref<1x8192xf32, #tpu.memory_space<hbm>>
      %dma_wait3A_61 = tpu.memref_squeeze %dma_wait3A_60 : memref<1x8192xf32, #tpu.memory_space<hbm>> -> memref<8192xf32, #tpu.memory_space<hbm>>
      tpu.wait_dma2 semaphore(%arg12 : memref<!tpu.dma_semaphore, #tpu.memory_space<semaphore_mem>>) src(%dma_wait3A_61 : memref<8192xf32, #tpu.memory_space<hbm>>) dst(%arg8 : memref<8192xf32, #tpu.memory_space<vmem>>)
      %parallel_loop3A_62 = arith.constant 0 : i32
      %parallel_loop3A_63 = arith.constant 8192 : i32
      %parallel_loop3A_64 = arith.constant 16 : i32
      scf.for %parallel_loop3A_118 = %parallel_loop3A_62 to %parallel_loop3A_63 step %parallel_loop3A_64  : i32 {
        %parallel_loop3A_119 = arith.index_cast %parallel_loop3A_118 : i32 to index
        %parallel_loop3A_120 = tpu.vector_load %arg8[%parallel_loop3A_119] {strides = array<i32>} : memref<8192xf32, #tpu.memory_space<vmem>>, vector<16xf32>,
        %parallel_loop3A_121 = vector.bitcast %parallel_loop3A_120 : vector<16xf32> to vector<16xi32>
        %parallel_loop3A_122 = arith.constant 49920 : i32
        %parallel_loop3A_123 = vector.broadcast %parallel_loop3A_122 : i32 to vector<16xi32>
        %parallel_loop3A_124 = arith.cmpi slt, %parallel_loop3A_121, %parallel_loop3A_123 : vector<16xi32>
        %parallel_loop3A_125 = tpu.vector_load_idx %arg5[%parallel_loop3A_121] masked %parallel_loop3A_124 : memref<49920xf32, #tpu.memory_space<vmem>>[vector<16xi32>], vector<16xf32>, vector<16xi1>
        %parallel_loop3A_126 = arith.select %parallel_loop3A_124, %parallel_loop3A_125, %parallel_loop3A_120 : vector<16xi1>, vector<16xf32>
        %parallel_loop3A_127 = arith.index_cast %parallel_loop3A_118 : i32 to index
        %parallel_loop3A_128 = tpu.vector_load %arg8[%parallel_loop3A_127] {strides = array<i32>} : memref<8192xf32, #tpu.memory_space<vmem>>, vector<16xf32>,
        tpu.vector_store %arg8[%parallel_loop3A_127], %parallel_loop3A_126 {strides = array<i32>} : memref<8192xf32, #tpu.memory_space<vmem>>, vector<16xf32>,
      } {sc.loop_unroll_factor = 16 : i64, sc.parallel_access}
      %lt3A = arith.constant 25 : i32
      %lt3A_65 = arith.cmpi slt, %scan3A_33, %lt3A : i32
      %convert_element_type3A_66 = arith.extui %lt3A_65 : i1 to i32
      %cond3A_67 = arith.constant 0 : i32
      %cond3A_68 = arith.cmpi ne, %convert_element_type3A_66, %cond3A_67 : i32
      scf.if %cond3A_68 {
        %add3A_118 = arith.constant 1 : i32
        %add3A_119 = arith.addi %scan3A_33, %add3A_118 : i32
        %dma_start3A_120 = arith.constant 0 : i32
        %dma_start3A_121 = tpu.memref_slice %arg3[%add3A_119, %add3A, %dma_start3A_120] : memref<26x32x100000xf32, #tpu.memory_space<hbm>> -> memref<1x1x49920xf32, #tpu.memory_space<hbm>>
        %dma_start3A_122 = tpu.memref_squeeze %dma_start3A_121 : memref<1x1x49920xf32, #tpu.memory_space<hbm>> -> memref<49920xf32, #tpu.memory_space<hbm>>
        %dma_start3A_123 = arith.constant 0 : i32
        %dma_start3A_124 = tpu.memref_slice %arg3[%add3A_119, %add3A, %dma_start3A_123] : memref<26x32x100000xf32, #tpu.memory_space<hbm>> -> memref<1x1x49920xf32, #tpu.memory_space<hbm>>
        %dma_start3A_125 = tpu.memref_squeeze %dma_start3A_124 : memref<1x1x49920xf32, #tpu.memory_space<hbm>> -> memref<49920xf32, #tpu.memory_space<hbm>>
        tpu.enqueue_dma source(%dma_start3A_125 : memref<49920xf32, #tpu.memory_space<hbm>>) target(%arg5 : memref<49920xf32, #tpu.memory_space<vmem>>) target_semaphore(%arg9 : memref<!tpu.dma_semaphore, #tpu.memory_space<semaphore_mem>>)
      } else {
      }
      %dma_wait3A_69 = arith.constant 49920 : i32
      %dma_wait3A_70 = tpu.memref_slice %arg3[%scan3A_33, %add3A, %dma_wait3A_69] : memref<26x32x100000xf32, #tpu.memory_space<hbm>> -> memref<1x1x50080xf32, #tpu.memory_space<hbm>>
      %dma_wait3A_71 = tpu.memref_squeeze %dma_wait3A_70 : memref<1x1x50080xf32, #tpu.memory_space<hbm>> -> memref<50080xf32, #tpu.memory_space<hbm>>
      %dma_wait3A_72 = arith.constant 49920 : i32
      %dma_wait3A_73 = tpu.memref_slice %arg3[%scan3A_33, %add3A, %dma_wait3A_72] : memref<26x32x100000xf32, #tpu.memory_space<hbm>> -> memref<1x1x50080xf32, #tpu.memory_space<hbm>>
      %dma_wait3A_74 = tpu.memref_squeeze %dma_wait3A_73 : memref<1x1x50080xf32, #tpu.memory_space<hbm>> -> memref<50080xf32, #tpu.memory_space<hbm>>
      tpu.wait_dma2 semaphore(%arg10 : memref<!tpu.dma_semaphore, #tpu.memory_space<semaphore_mem>>) src(%dma_wait3A_74 : memref<50080xf32, #tpu.memory_space<hbm>>) dst(%arg6 : memref<50080xf32, #tpu.memory_space<vmem>>)
      %parallel_loop3A_75 = arith.constant 0 : i32
      %parallel_loop3A_76 = arith.constant 8192 : i32
      %parallel_loop3A_77 = arith.constant 16 : i32
      scf.for %parallel_loop3A_118 = %parallel_loop3A_75 to %parallel_loop3A_76 step %parallel_loop3A_77  : i32 {
        %parallel_loop3A_119 = arith.index_cast %parallel_loop3A_118 : i32 to index
        %parallel_loop3A_120 = tpu.vector_load %arg7[%parallel_loop3A_119] {strides = array<i32>} : memref<8192xf32, #tpu.memory_space<vmem>>, vector<16xf32>,
        %parallel_loop3A_121 = vector.bitcast %parallel_loop3A_120 : vector<16xf32> to vector<16xi32>
        %parallel_loop3A_122 = arith.constant 49920 : i32
        %parallel_loop3A_123 = vector.broadcast %parallel_loop3A_122 : i32 to vector<16xi32>
        %parallel_loop3A_124 = arith.cmpi sge, %parallel_loop3A_121, %parallel_loop3A_123 : vector<16xi32>
        %parallel_loop3A_125 = arith.constant 100000 : i32
        %parallel_loop3A_126 = vector.broadcast %parallel_loop3A_125 : i32 to vector<16xi32>
        %parallel_loop3A_127 = arith.cmpi slt, %parallel_loop3A_121, %parallel_loop3A_126 : vector<16xi32>
        %parallel_loop3A_128 = arith.andi %parallel_loop3A_124, %parallel_loop3A_127 : vector<16xi1>
        %parallel_loop3A_129 = arith.constant 49920 : i32
        %parallel_loop3A_130 = vector.broadcast %parallel_loop3A_129 : i32 to vector<16xi32>
        %parallel_loop3A_131 = arith.subi %parallel_loop3A_121, %parallel_loop3A_130 : vector<16xi32>
        %parallel_loop3A_132 = tpu.vector_load_idx %arg6[%parallel_loop3A_131] masked %parallel_loop3A_128 : memref<50080xf32, #tpu.memory_space<vmem>>[vector<16xi32>], vector<16xf32>, vector<16xi1>
        %parallel_loop3A_133 = arith.select %parallel_loop3A_128, %parallel_loop3A_132, %parallel_loop3A_120 : vector<16xi1>, vector<16xf32>
        %parallel_loop3A_134 = arith.index_cast %parallel_loop3A_118 : i32 to index
        %parallel_loop3A_135 = tpu.vector_load %arg7[%parallel_loop3A_134] {strides = array<i32>} : memref<8192xf32, #tpu.memory_space<vmem>>, vector<16xf32>,
        tpu.vector_store %arg7[%parallel_loop3A_134], %parallel_loop3A_133 {strides = array<i32>} : memref<8192xf32, #tpu.memory_space<vmem>>, vector<16xf32>,
      } {sc.loop_unroll_factor = 16 : i64, sc.parallel_access}
      %mul3A_78 = arith.constant 32 : i32
      %mul3A_79 = arith.muli %scan3A_33, %mul3A_78 : i32
      %add3A_80 = arith.addi %mul3A_79, %add3A : i32
      %dma_start3A_81 = arith.constant 0 : i32
      %dma_start3A_82 = tpu.memref_slice %arg4[%add3A_80, %dma_start3A_81] : memref<832x16384xf32, #tpu.memory_space<hbm>> -> memref<1x8192xf32, #tpu.memory_space<hbm>>
      %dma_start3A_83 = tpu.memref_squeeze %dma_start3A_82 : memref<1x8192xf32, #tpu.memory_space<hbm>> -> memref<8192xf32, #tpu.memory_space<hbm>>
      %dma_start3A_84 = arith.constant 0 : i32
      %dma_start3A_85 = tpu.memref_slice %arg4[%add3A_80, %dma_start3A_84] : memref<832x16384xf32, #tpu.memory_space<hbm>> -> memref<1x8192xf32, #tpu.memory_space<hbm>>
      %dma_start3A_86 = tpu.memref_squeeze %dma_start3A_85 : memref<1x8192xf32, #tpu.memory_space<hbm>> -> memref<8192xf32, #tpu.memory_space<hbm>>
      tpu.enqueue_dma source(%arg7 : memref<8192xf32, #tpu.memory_space<vmem>>) target(%dma_start3A_86 : memref<8192xf32, #tpu.memory_space<hbm>>) target_semaphore(%arg13 : memref<!tpu.dma_semaphore, #tpu.memory_space<semaphore_mem>>)
      %parallel_loop3A_87 = arith.constant 0 : i32
      %parallel_loop3A_88 = arith.constant 8192 : i32
      %parallel_loop3A_89 = arith.constant 16 : i32
      scf.for %parallel_loop3A_118 = %parallel_loop3A_87 to %parallel_loop3A_88 step %parallel_loop3A_89  : i32 {
        %parallel_loop3A_119 = arith.index_cast %parallel_loop3A_118 : i32 to index
        %parallel_loop3A_120 = tpu.vector_load %arg8[%parallel_loop3A_119] {strides = array<i32>} : memref<8192xf32, #tpu.memory_space<vmem>>, vector<16xf32>,
        %parallel_loop3A_121 = vector.bitcast %parallel_loop3A_120 : vector<16xf32> to vector<16xi32>
        %parallel_loop3A_122 = arith.constant 49920 : i32
        %parallel_loop3A_123 = vector.broadcast %parallel_loop3A_122 : i32 to vector<16xi32>
        %parallel_loop3A_124 = arith.cmpi sge, %parallel_loop3A_121, %parallel_loop3A_123 : vector<16xi32>
        %parallel_loop3A_125 = arith.constant 100000 : i32
        %parallel_loop3A_126 = vector.broadcast %parallel_loop3A_125 : i32 to vector<16xi32>
        %parallel_loop3A_127 = arith.cmpi slt, %parallel_loop3A_121, %parallel_loop3A_126 : vector<16xi32>
        %parallel_loop3A_128 = arith.andi %parallel_loop3A_124, %parallel_loop3A_127 : vector<16xi1>
        %parallel_loop3A_129 = arith.constant 49920 : i32
        %parallel_loop3A_130 = vector.broadcast %parallel_loop3A_129 : i32 to vector<16xi32>
        %parallel_loop3A_131 = arith.subi %parallel_loop3A_121, %parallel_loop3A_130 : vector<16xi32>
        %parallel_loop3A_132 = tpu.vector_load_idx %arg6[%parallel_loop3A_131] masked %parallel_loop3A_128 : memref<50080xf32, #tpu.memory_space<vmem>>[vector<16xi32>], vector<16xf32>, vector<16xi1>
        %parallel_loop3A_133 = arith.select %parallel_loop3A_128, %parallel_loop3A_132, %parallel_loop3A_120 : vector<16xi1>, vector<16xf32>
        %parallel_loop3A_134 = arith.index_cast %parallel_loop3A_118 : i32 to index
        %parallel_loop3A_135 = tpu.vector_load %arg8[%parallel_loop3A_134] {strides = array<i32>} : memref<8192xf32, #tpu.memory_space<vmem>>, vector<16xf32>,
        tpu.vector_store %arg8[%parallel_loop3A_134], %parallel_loop3A_133 {strides = array<i32>} : memref<8192xf32, #tpu.memory_space<vmem>>, vector<16xf32>,
      } {sc.loop_unroll_factor = 16 : i64, sc.parallel_access}
      %lt3A_90 = arith.constant 25 : i32
      %lt3A_91 = arith.cmpi slt, %scan3A_33, %lt3A_90 : i32
      %convert_element_type3A_92 = arith.extui %lt3A_91 : i1 to i32
      %cond3A_93 = arith.constant 0 : i32
      %cond3A_94 = arith.cmpi ne, %convert_element_type3A_92, %cond3A_93 : i32
      scf.if %cond3A_94 {
        %add3A_118 = arith.constant 1 : i32
        %add3A_119 = arith.addi %scan3A_33, %add3A_118 : i32
        %dma_start3A_120 = arith.constant 49920 : i32
        %dma_start3A_121 = tpu.memref_slice %arg3[%add3A_119, %add3A, %dma_start3A_120] : memref<26x32x100000xf32, #tpu.memory_space<hbm>> -> memref<1x1x50080xf32, #tpu.memory_space<hbm>>
        %dma_start3A_122 = tpu.memref_squeeze %dma_start3A_121 : memref<1x1x50080xf32, #tpu.memory_space<hbm>> -> memref<50080xf32, #tpu.memory_space<hbm>>
        %dma_start3A_123 = arith.constant 49920 : i32
        %dma_start3A_124 = tpu.memref_slice %arg3[%add3A_119, %add3A, %dma_start3A_123] : memref<26x32x100000xf32, #tpu.memory_space<hbm>> -> memref<1x1x50080xf32, #tpu.memory_space<hbm>>
        %dma_start3A_125 = tpu.memref_squeeze %dma_start3A_124 : memref<1x1x50080xf32, #tpu.memory_space<hbm>> -> memref<50080xf32, #tpu.memory_space<hbm>>
        tpu.enqueue_dma source(%dma_start3A_125 : memref<50080xf32, #tpu.memory_space<hbm>>) target(%arg6 : memref<50080xf32, #tpu.memory_space<vmem>>) target_semaphore(%arg10 : memref<!tpu.dma_semaphore, #tpu.memory_space<semaphore_mem>>)
      } else {
      }
      %mul3A_95 = arith.constant 32 : i32
      %mul3A_96 = arith.muli %scan3A_33, %mul3A_95 : i32
      %add3A_97 = arith.addi %mul3A_96, %add3A : i32
      %dma_start3A_98 = arith.constant 8192 : i32
      %dma_start3A_99 = tpu.memref_slice %arg4[%add3A_97, %dma_start3A_98] : memref<832x16384xf32, #tpu.memory_space<hbm>> -> memref<1x8192xf32, #tpu.memory_space<hbm>>
      %dma_start3A_100 = tpu.memref_squeeze %dma_start3A_99 : memref<1x8192xf32, #tpu.memory_space<hbm>> -> memref<8192xf32, #tpu.memory_space<hbm>>
      %dma_start3A_101 = arith.constant 8192 : i32
      %dma_start3A_102 = tpu.memref_slice %arg4[%add3A_97, %dma_start3A_101] : memref<832x16384xf32, #tpu.memory_space<hbm>> -> memref<1x8192xf32, #tpu.memory_space<hbm>>
      %dma_start3A_103 = tpu.memref_squeeze %dma_start3A_102 : memref<1x8192xf32, #tpu.memory_space<hbm>> -> memref<8192xf32, #tpu.memory_space<hbm>>
      tpu.enqueue_dma source(%arg8 : memref<8192xf32, #tpu.memory_space<vmem>>) target(%dma_start3A_103 : memref<8192xf32, #tpu.memory_space<hbm>>) target_semaphore(%arg14 : memref<!tpu.dma_semaphore, #tpu.memory_space<semaphore_mem>>)
      %mul3A_104 = arith.constant 32 : i32
      %mul3A_105 = arith.muli %scan3A_33, %mul3A_104 : i32
      %add3A_106 = arith.addi %mul3A_105, %add3A : i32
      %dma_wait3A_107 = arith.constant 0 : i32
      %dma_wait3A_108 = tpu.memref_slice %arg4[%add3A_106, %dma_wait3A_107] : memref<832x16384xf32, #tpu.memory_space<hbm>> -> memref<1x8192xf32, #tpu.memory_space<hbm>>
      %dma_wait3A_109 = tpu.memref_squeeze %dma_wait3A_108 : memref<1x8192xf32, #tpu.memory_space<hbm>> -> memref<8192xf32, #tpu.memory_space<hbm>>
      %dma_wait3A_110 = arith.constant 0 : i32
      %dma_wait3A_111 = tpu.memref_slice %arg4[%add3A_106, %dma_wait3A_110] : memref<832x16384xf32, #tpu.memory_space<hbm>> -> memref<1x8192xf32, #tpu.memory_space<hbm>>
      %dma_wait3A_112 = tpu.memref_squeeze %dma_wait3A_111 : memref<1x8192xf32, #tpu.memory_space<hbm>> -> memref<8192xf32, #tpu.memory_space<hbm>>
      tpu.wait_dma2 semaphore(%arg13 : memref<!tpu.dma_semaphore, #tpu.memory_space<semaphore_mem>>) src(%arg7 : memref<8192xf32, #tpu.memory_space<vmem>>) dst(%dma_wait3A_112 : memref<8192xf32, #tpu.memory_space<hbm>>)
      %lt3A_113 = arith.constant 25 : i32
      %lt3A_114 = arith.cmpi slt, %scan3A_33, %lt3A_113 : i32
      %convert_element_type3A_115 = arith.extui %lt3A_114 : i1 to i32
      %cond3A_116 = arith.constant 0 : i32
      %cond3A_117 = arith.cmpi ne, %convert_element_type3A_115, %cond3A_116 : i32
      scf.if %cond3A_117 {
        %add3A_118 = arith.constant 1 : i32
        %add3A_119 = arith.addi %scan3A_33, %add3A_118 : i32
        %dma_start3A_120 = arith.constant 0 : i32
        %dma_start3A_121 = tpu.memref_slice %arg2[%add3A_119, %dma_start3A_120] : memref<26x16384xf32, #tpu.memory_space<hbm>> -> memref<1x8192xf32, #tpu.memory_space<hbm>>
        %dma_start3A_122 = tpu.memref_squeeze %dma_start3A_121 : memref<1x8192xf32, #tpu.memory_space<hbm>> -> memref<8192xf32, #tpu.memory_space<hbm>>
        %dma_start3A_123 = arith.constant 0 : i32
        %dma_start3A_124 = tpu.memref_slice %arg2[%add3A_119, %dma_start3A_123] : memref<26x16384xf32, #tpu.memory_space<hbm>> -> memref<1x8192xf32, #tpu.memory_space<hbm>>
        %dma_start3A_125 = tpu.memref_squeeze %dma_start3A_124 : memref<1x8192xf32, #tpu.memory_space<hbm>> -> memref<8192xf32, #tpu.memory_space<hbm>>
        tpu.enqueue_dma source(%dma_start3A_125 : memref<8192xf32, #tpu.memory_space<hbm>>) target(%arg7 : memref<8192xf32, #tpu.memory_space<vmem>>) target_semaphore(%arg11 : memref<!tpu.dma_semaphore, #tpu.memory_space<semaphore_mem>>)
      } else {
      }
    }
    %scan3A_25 = arith.constant 26 : i32
    %add3A_26 = arith.constant 800 : i32
    %add3A_27 = arith.addi %add3A_26, %add3A : i32
    %dma_wait3A = arith.constant 8192 : i32
    %dma_wait3A_28 = tpu.memref_slice %arg4[%add3A_27, %dma_wait3A] : memref<832x16384xf32, #tpu.memory_space<hbm>> -> memref<1x8192xf32, #tpu.memory_space<hbm>>
    %dma_wait3A_29 = tpu.memref_squeeze %dma_wait3A_28 : memref<1x8192xf32, #tpu.memory_space<hbm>> -> memref<8192xf32, #tpu.memory_space<hbm>>
    %dma_wait3A_30 = arith.constant 8192 : i32
    %dma_wait3A_31 = tpu.memref_slice %arg4[%add3A_27, %dma_wait3A_30] : memref<832x16384xf32, #tpu.memory_space<hbm>> -> memref<1x8192xf32, #tpu.memory_space<hbm>>
    %dma_wait3A_32 = tpu.memref_squeeze %dma_wait3A_31 : memref<1x8192xf32, #tpu.memory_space<hbm>> -> memref<8192xf32, #tpu.memory_space<hbm>>
    tpu.wait_dma2 semaphore(%arg14 : memref<!tpu.dma_semaphore, #tpu.memory_space<semaphore_mem>>) src(%arg8 : memref<8192xf32, #tpu.memory_space<vmem>>) dst(%dma_wait3A_32 : memref<8192xf32, #tpu.memory_space<hbm>>)
    return
  }
}

</mosaic_0001>

<sc_bundles>
// kernel: kernel.3.cloned.1.call-start
scs
__scs_entry_jumppad:
0x0: {  	(pc) =	sbr.rel $0x88, $3  }
0x1: {  	(tag) =	ssettag $0x0;
	lr =	simm.s32 $0x1  }
0x2: {  	[smem:$0x3F9F] =	sst lr;
	_ =	strace $0xD0000000  }
0x3: {  	_ = 	snop  }
0x4: {  	_ = 	snop  }
0x5: {  	_ = 	snop  }
0x6: {  	_ = 	snop  }
0x7: {  	_ = 	snop  }
__scs_overlays_trampoline_lowered:
0x8: {  	[smem:$0x3FAE] =	sst s0  }
0x9: {  	[smem:$0x3FAF] =	sst s1  }
0xa: {  	[smem:$0x3FB0] =	sst s2  }
0xb: {  	[smem:$0x3FB1] =	sst s3  }
0xc: {  	[smem:$0x3FB2] =	sst s4  }
0xd: {  	[smem:$0x3FB3] =	sst s5  }
0xe: {  	[smem:$0x3FB4] =	sst s6  }
0xf: {  	[smem:$0x3FB5] =	sst s7  }
0x10: {  	[smem:$0x3FB6] =	sst s8  }
0x11: {  	[smem:$0x3FB7] =	sst s9;
	s0 =	simm.s32 @!p0 $0x0  }
0x12: {  	s1 =	sld [smem:$0x3F9D];
	s0 =	simm.s32 @p0 $0x1  }
0x13: {  	[smem:$0x3FB8] =	sst s0;
	s0 =	simm.s32 @!p1 $0x0  }
0x14: {  	s2 =	sld [smem:$0x3F9C];
	s0 =	simm.s32 @p1 $0x1  }
0x15: {  	[smem:$0x3FB9] =	sst s0;
	s0 =	simm.s32 @!p2 $0x0  }
0x16: {  	s3 =	sld [smem:$0x3FDB];
	s0 =	simm.s32 @p2 $0x1  }
0x17: {  	s4 =	simm.s32 $0x1BF5;
	[smem:$0x3FBB] =	sst s0  }
0x18: {  	s0 =	sld [smem:$0x3F9E];
	_ =	swait.ge [sflag:s4], $0x0  }
0x19: {  	s7 =	sld [smem:$0x3F9F]  }
0x1a: {  	s8 =	sadd.s32 $0xFFFFE003, lr  }
0x1b: {  	s9 =	sadd.s32 $0xFFFFFEF7, lr;
	s5 =	simm.s32 $0xFFFFFFFF;
	p2 =	slt.u32 s8, $0xFFFFF086  }
0x1c: {  	p1 =	slt.u32 s9, $0xF7A;
	s5 =	simm.s32 @!p2 $0x0  }
0x1d: {  	s5 =	simm.s32 @p1 $0x1;
	p0 =	seq.s32 s7, s2  }
0x1e: {  	s7 =	smul.u32 @!p0 $0xF7A, s2;
	p2 =	seq.s32 @!p0 s5, $0x0  }
0x1f: {  	s9 =	smul.u32 $0xF7A, s1;
	s8 =	simm.s32 @!p0 $0x1BF5;
	p2 =	por !p2, p0  }
0x20: {  	[sflag:s8] =	ssyncset.s32 @!p0 $0xFFFFF086;
	s6 =	sadd.s32 @!p0 s3, s7;
	s7 =	simm.s32 @!p0 $0x108  }
0x21: {  	s3 =	sadd.s32 s3, s9;
	s6 =	sadd.s32 @!p0 $0x88, s6;
	s7 =	simm.s32 @p2 $0x1082  }
0x22: {  	[simem:s7], [sflag:s8] =	dma.local @!p0 [hbm:s6], $0xF7A  }
0x23: {  	s9 =	sor.u32 $0xD0000000, s2;
	s6 =	simm.s32 $0x108;
	_ =	swait.ge @!p0 [sflag:s8], $0x0  }
0x24: {  	s3 =	sadd.s32 $0x88, s3;
	s6 =	simm.s32 @!p1 $0x1082;
	[sflag:s4] =	ssyncset.s32 $0xFFFFF086  }
0x25: {  	[simem:s6], [sflag:s4] =	dma.local [hbm:s3], $0xF7A  }
0x26: {  	[smem:$0x3F9F] =	sst s1;
	(tag) =	ssettag s2;
	_ =	strace s9  }
0x27: {  	s1 =	sld [smem:$0x3FAF]  }
0x28: {  	s2 =	sld [smem:$0x3FB0]  }
0x29: {  	s4 =	sld [smem:$0x3FB2]  }
0x2a: {  	p0 =	seq.s32 s5, $0x0;
	s5 =	sld [smem:$0x3FB3]  }
0x2b: {  	s6 =	sld [smem:$0x3FB4]  }
0x2c: {  	s7 =	sld [smem:$0x3FB5]  }
0x2d: {  	s3 =	simm.s32 $0x108;
	s8 =	sld [smem:$0x3FB6]  }
0x2e: {  	s3 =	simm.s32 @!p0 $0x1082;
	s9 =	sld [smem:$0x3FB7]  }
0x2f: {  	lr =	sadd.s32 s0, s3;
	s0 =	sld [smem:$0x3FAE]  }
0x30: {  	s3 =	sld [smem:$0x3FB1]  }
0x31: {  	[smem:$0x3FBA] =	sst s10  }
0x32: {  	s10 =	sld [smem:$0x3FB8];
	_ =	sdelay $0x3  }
0x33: {  	p0 =	seq.s32 s10, $0x1;
	s10 =	sld [smem:$0x3FBA];
	_ =	sdelay $0x3  }
0x34: {  	[smem:$0x3FBA] =	sst s10  }
0x35: {  	s10 =	sld [smem:$0x3FB9];
	_ =	sdelay $0x3  }
0x36: {  	p1 =	seq.s32 s10, $0x1;
	s10 =	sld [smem:$0x3FBA];
	_ =	sdelay $0x3  }
0x37: {  	[smem:$0x3FBA] =	sst s10  }
0x38: {  	s10 =	sld [smem:$0x3FBB]  }
0x39: {  	_ = 	snop;
	(pc) =	sbr.ind lr, $3  }
0x3a: {  	_ = 	snop  }
0x3b: {  	_ = 	snop  }
0x3c: {  	p2 =	seq.s32 s10, $0x1;
	s10 =	sld [smem:$0x3FBA]  }
0x3d: {  	_ =	shalt  }
0x3e: {  	_ =	shalt  }
0x3f: {  	_ =	shalt  }
0x40: {  	_ =	shalt  }
0x41: {  	_ =	shalt  }
0x42: {  	_ =	shalt  }
0x43: {  	_ =	shalt  }
0x44: {  	_ =	shalt  }
0x45: {  	_ =	shalt  }
0x46: {  	_ =	shalt  }
0x47: {  	_ =	shalt  }
0x48: {  	_ =	shalt  }
0x49: {  	_ =	shalt  }
0x4a: {  	_ =	shalt  }
0x4b: {  	_ =	shalt  }
0x4c: {  	_ =	shalt  }
0x4d: {  	_ =	shalt  }
0x4e: {  	_ =	shalt  }
0x4f: {  	_ =	shalt  }
0x50: {  	_ =	shalt  }
0x51: {  	_ =	shalt  }
0x52: {  	_ =	shalt  }
0x53: {  	_ =	shalt  }
0x54: {  	_ =	shalt  }
0x55: {  	_ =	shalt  }
0x56: {  	_ =	shalt  }
0x57: {  	_ =	shalt  }
0x58: {  	_ =	shalt  }
0x59: {  	_ =	shalt  }
0x5a: {  	_ =	shalt  }
0x5b: {  	_ =	shalt  }
0x5c: {  	_ =	shalt  }
0x5d: {  	_ =	shalt  }
0x5e: {  	_ =	shalt  }
0x5f: {  	_ =	shalt  }
0x60: {  	_ =	shalt  }
0x61: {  	_ =	shalt  }
0x62: {  	_ =	shalt  }
0x63: {  	_ =	shalt  }
0x64: {  	_ =	shalt  }
0x65: {  	_ =	shalt  }
0x66: {  	_ =	shalt  }
0x67: {  	_ =	shalt  }
0x68: {  	_ =	shalt  }
0x69: {  	_ =	shalt  }
0x6a: {  	_ =	shalt  }
0x6b: {  	_ =	shalt  }
0x6c: {  	_ =	shalt  }
0x6d: {  	_ =	shalt  }
0x6e: {  	_ =	shalt  }
0x6f: {  	_ =	shalt  }
0x70: {  	_ =	shalt  }
0x71: {  	_ =	shalt  }
0x72: {  	_ =	shalt  }
0x73: {  	_ =	shalt  }
0x74: {  	_ =	shalt  }
0x75: {  	_ =	shalt  }
0x76: {  	_ =	shalt  }
0x77: {  	_ =	shalt  }
0x78: {  	_ =	shalt  }
0x79: {  	_ =	shalt  }
0x7a: {  	_ =	shalt  }
0x7b: {  	_ =	shalt  }
0x7c: {  	_ =	shalt  }
0x7d: {  	_ =	shalt  }
0x7e: {  	_ =	shalt  }
0x7f: {  	_ =	shalt  }
0x80: {  	_ =	shalt  }
0x81: {  	_ =	shalt  }
0x82: {  	_ =	shalt  }
0x83: {  	_ =	shalt  }
0x84: {  	_ =	shalt  }
0x85: {  	_ =	shalt  }
0x86: {  	_ =	shalt  }
0x87: {  	_ =	shalt  }
.Lfunc_end0:
.L_simem_size_0:
called_computation_lowered:
.L_overlay_start_0:
0x88: {  	s2 =	sld [smem:$0x3FD9]  }
0x89: {  	s3 =	sld [smem:$0x3FFE];
	_ =	sdelay $0x1  }
0x8a: {  	s1 =	srdreg.scid  }
0x8b: {  	s0 =	sand.u32 $0x1, s1  }
0x8c: {  	s17 =	sshll.u32 s0, $0xA;
	s2 =	sadd.s32 s3, s2  }
0x8d: {  	s2 =	sadd.s32 s2, s17  }
0x8e: {  	[smem:$0x3FC6] =	sst s2  }
0x8f: {  	_ = 	snop  }
0x90: {  	s2 =	sld [smem:$0x3FC8]  }
0x91: {  	s18 =	sld [smem:$0x3FD0];
	(tm) =	ssettm $0x1  }
0x92: {  	s4 =	sld [smem:$0x3FFB];
	_ =	sdelay $0x3  }
0x93: {  	_ =	strace s4  }
0x94: {  	s4 =	sld [smem:$0x3FFC];
	_ =	sdelay $0x3  }
0x95: {  	_ =	strace s4  }
0x96: {  	s4 =	sld [smem:$0x3FFD];
	_ =	sdelay $0x3  }
0x97: {  	_ =	strace s4  }
0x98: {  	_ =	strace $0x8FFFFFFF  }
0x99: {  	s19 =	sld [smem:$0x3FDB];
	_ =	sdelay $0x1  }
0x9a: {  	s5 =	simm.s32 $_scs_section_size  }
0x9b: {  	s6 =	simm.s32 $_size__tile_overlayer_lowered;
	s7 =	simm.s32 $_tile_overlayer_lowered  }
0x9c: {  	s22 =	simm.s32 $0x1BFF;
	s21 =	sshll.u32 s7, $0x1;
	s4 =	sadd.s32 s5, s19  }
0x9d: {  	s8 =	simm.s32 $0x0;
	s20 =	sshll.u32 s6, $0x1;
	s6 =	sadd.s32 s21, s4  }
0x9e: {  	[timem:s8], [sflag:s22] =	dma.local [hbm:s6], s20  }
0x9f: {  	_ =	swait.ge [sflag:s22], s20  }
0xa0: {  	s5 =	ssub.s32 $0x0, s20;
	[sflag:s22] =	ssyncset.done $0x0  }
0xa1: {  	[sflag:s22] =	ssyncadd.s32 s5;
	_ =	sdelay $0x1  }
0xa2: {  	s23 =	simm.s32 $0x1B8B  }
0xa3: {  	_ =	swait.ge [sflag:s23], $0x1  }
0xa4: {  	[sflag:s23] =	ssyncset.done $0x0  }
0xa5: {  	s25 =	simm.s32 $0x1B8E;
	s24 =	sld [smem:$0x3FFE];
	[sflag:s23] =	ssyncadd.s32 $0xFFFFFFFF  }
0xa6: {  	s26 =	simm.s32 $execute0_lowered;
	[smem:$0x3FD2] =	sst s25  }
0xa7: {  	s6 =	sshll.u32 s26, $0x1;
	_ =	strace $0x80000046;
	[dreg:$0x1] =	wrdreg $0xFFFFFFFF  }
0xa8: {  	s28 =	simm.s32 $_size_execute0_lowered;
	s4 =	sadd.s32 s4, s6;
	[dreg:$0x0] =	wrdreg $0x0  }
0xa9: {  	s6 =	sshll.u32 s28, $0x1;
	[dreg:$0x2] =	wrdreg s4  }
0xaa: {  	[dreg:$0x3] =	wrdreg s6  }
0xab: {  	[dreg:$0x4] =	wrdreg $0xC0  }
0xac: {  	_ =	task [dreg:s8], $0x5FFFF  }
0xad: {  	[dreg:$0x1] =	wrdreg $0xFFFFFFFF  }
0xae: {  	[dreg:$0x0] =	wrdreg $0x60  }
0xaf: {  	[dreg:$0x2] =	wrdreg s24  }
0xb0: {  	[dreg:$0x3] =	wrdreg s2  }
0xb1: {  	[dreg:$0x4] =	wrdreg s18  }
0xb2: {  	[dreg:$0x5] =	wrdreg $0x9  }
0xb3: {  	_ =	task.clear_ibuf [dreg:s8], $0x6FFFF;
	_ =	strace $0x90000046  }
0xb4: {  	s29 =	simm.s32 $0x9;
	_ =	strace $0x80000048  }
0xb5: {  	_ =	swait.ge [sflag:s29], $0x1  }
0xb6: {  	[sflag:s29] =	ssyncadd.s32 $0xFFFFFFFF  }
0xb7: {  	_ =	strace $0x90000048  }
0xb8: {  	_ =	sfence  }
0xb9: {  	s30 =	sld [smem:$0x0];
	_ =	sdelay $0x2  }
0xba: {  	s31 =	sshll.u32 s1, $0xD;
	s1 =	sshrl.u32 s1, $0x2  }
0xbb: {  	s3 =	sand.u32 $0x4000, s31;
	s1 =	sadd.s32 s1, s30  }
0xbc: {  	s0 =	sor.u32 s3, s0;
	s1 =	sshll.u32 s1, $0x11  }
0xbd: {  	s0 =	sor.u32 s1, s0  }
0xbe: {  	s0 =	sadd.s32 $0x8F2B, s0  }
0xbf: {  	[sflag:s0] =	ssyncadd.remote.s32 $0x1  }
0xc0: {  	_ =	sfence.sel $0xFFFF  }
0xc1: {  	[dreg:$0x0] =	wrdreg $0xFFFFFFFF;
	(pc) =	sbr.abs _section_cstart, $3  }
0xc2: {  	[dreg:$0x1] =	wrdreg $0xFFFFFFFF  }
0xc3: {  	_ =	task.clear_ibuf [dreg:s8], $0x2FFFF;
	_ =	strace $0x9FFFFFFF  }
0xc4: {  	(tm) =	ssettm $0x7FFFFFFF  }
0xc5: {  	_ =	shalt  }
tec
execute0_lowered:
.L_overlay_start_1:
0x0: {  	(tag) =	ssettag $0x1  }
0x1: {  	s1 =	rddreg [dreg:$0x0]  }
0x2: {  	s0 =	srdreg.scid;
	s2 =	rddreg [dreg:$0x1]  }
0x3: {  	s3 =	rddreg [dreg:$0x2];
	s15 =	simm.s32 $0x80;
	s16 =	simm.s32 $0x400  }
0x4: {  	s17 =	simm.s32 $0xC300;
	s18 =	simm.s32 $0x18700;
	s19 =	simm.s32 $0x1A700  }
0x5: {  	s20 =	simm.s32 $0x3;
	s21 =	simm.s32 $0x1;
	s22 =	simm.s32 $0x4  }
0x6: {  	s23 =	simm.s32 $0x2;
	s24 =	simm.s32 $0x5;
	s25 =	simm.s32 $0x6  }
0x7: {  	s26 =	simm.s32 $0x0;
	s6 =	sand.u32 $0x1, s0;
	s0 =	stileid.u32  }
0x8: {  	s13 =	sadd.s32 $0x2000, s3;
	s4 =	sshll.u32 s6, $0x4;
	s28 =	sshll.u32 s0, $0x7  }
0x9: {  	s8 =	ssub.s32 $0x2, s6;
	s6 =	sadd.s32 $0x400, s1;
	s9 =	sor.u32 s0, s4  }
0xa: {  	s4 =	simm.s32 $0x0;
	s29 =	sshrl.u32 s8, $0x1;
	s5 =	sshrl.u32 s9, $0x3  }
0xb: {  	[smem:$0x7FF] =	sst s4;
	s14 =	ssub.s32 s8, s29;
	s7 =	smul.u32 $0xC3800, s5  }
.Ltmp0:
0xc: {  	s11 =	sshll.u32 s9, $0xE;
	s5 =	sand.u32 $0x380, s28;
	(pc) =	sbr.rel .LBB2_1-.Ltmp0, $4  }
0xd: {  	s9 =	sadd.s32 $0x2400, s1;
	_ =	strace $0x80000047;
	s12 =	sor.u32 s5, s7  }
0xe: {  	s11 =	sand.u32 $0x60000, s11;
	s10 =	sadd.s32 $0x61800, s12;
	s30 =	sshrl.u32 s12, $0x3  }
0xf: {  	s14 =	smax.u32 s14, $0x1;
	s31 =	sshrl.u32 s10, $0x3;
	s7 =	sadd.s32 s2, s30  }
0x10: {  	s10 =	sadd.s32 $0x30E000, s12;
	s12 =	sadd.s32 $0x36F800, s12;
	s8 =	sadd.s32 s2, s31  }
.LBB2_12:
0x11: {  	[hbm4b:s1+s15] =	stream.strided.scatter [tilespmem:s19], [sflag:$0x6], $0x2000, s16, s15, $0x38;
	[tilespmem:$0x1C700] =	vst v63  }
0x12: {  	s26 =	sadd.s32 $0x1, s26  }
0x13: {  	_ =	swait.ge [sflag:s24], $0x2000;
	p0 =	sne.s32 s26, s14  }
.Ltmp1:
0x14: {  	[sflag:s24] =	ssyncset.done $0x0;
	(pc) =	sbr.rel @!p0 .LBB2_13-.Ltmp1, $4  }
0x15: {  	[sflag:s24] =	ssyncadd.s32 $0xFFFFE000  }
0x16: {  	_ =	swait.ge [sflag:s25], $0x2000  }
0x17: {  	[sflag:s25] =	ssyncset.done $0x0  }
0x18: {  	[sflag:s25] =	ssyncadd.s32 $0xFFFFE000  }
.LBB2_1:
0x19: {  	[tilespmem:s4], [sflag:$0x1] =	stream.strided.gather [hbm4b:s7+s15], $0xC300, s16, s15, $0x38;
	[tilespmem:$0x1C700] =	vst v63  }
0x1a: {  	s1 =	smov.u32 s6;
	s28 =	simm.s32 $0x0  }
0x1b: {  	[tilespmem:s17], [sflag:$0x2] =	stream.strided.gather [hbm4b:s8+s15], $0xC400, s16, s15, $0x38;
	[tilespmem:$0x1C700] =	vst v63  }
.LBB2_2:
0x1c: {  	[tilespmem:s18], [sflag:$0x3] =	stream.strided.gather [hbm4b:s1+s15], $0x2000, s16, s15, $0x38;
	[tilespmem:$0x1C700] =	vst v63  }
0x1d: {  	p0 =	seq.s32 s28, $0x0  }
0x1e: {  	s29 =	sshll.u32 s28, $0xB;
	s30 =	sshll.u32 s28, $0x4;
	s1 =	simm.s32 @!p0 $0x6  }
0x1f: {  	s29 =	sand.u32 $0xC000, s29;
	s30 =	sand.u32 $0x70, s30;
	_ =	swait.ge @!p0 [sflag:s1], $0x2000  }
0x20: {  	s29 =	sor.u32 s30, s29;
	[sflag:s1] =	ssyncset.done @!p0 $0x0  }
0x21: {  	s31 =	sadd.s32 s29, s9;
	[sflag:s1] =	ssyncadd.s32 @!p0 $0xFFFFE000  }
0x22: {  	[tilespmem:s19], [sflag:$0x4] =	stream.strided.gather [hbm4b:s31+s15], $0x2000, s16, s15, $0x38;
	[tilespmem:$0x1C700] =	vst v63  }
0x23: {  	_ =	swait.ge [sflag:s20], $0x2000  }
0x24: {  	[sflag:s20] =	ssyncset.done $0x0  }
0x25: {  	[sflag:s20] =	ssyncadd.s32 $0xFFFFE000  }
0x26: {  	_ =	swait.ge [sflag:s21], $0xC300  }
0x27: {  	[sflag:s21] =	ssyncset.done $0x0  }
0x28: {  	s29 =	simm.s32 $0x18780;
	[sflag:s21] =	ssyncadd.s32 $0xFFFF3D00  }
0x29: {  	v6 =	vld [tilespmem:s29+$0x70]  }
0x2a: {  	v7 =	vld [tilespmem:s29+$0xFFFFFF90]  }
0x2b: {  	v8 =	vld [tilespmem:s29+$0xFFFFFFA0]  }
0x2c: {  	v9 =	vld [tilespmem:s29+$0xFFFFFFB0]  }
0x2d: {  	v10 =	vld [tilespmem:s29+$0xFFFFFFC0]  }
0x2e: {  	v11 =	vld [tilespmem:s29+$0xFFFFFFD0]  }
0x2f: {  	v12 =	vld [tilespmem:s29+$0xFFFFFFE0]  }
0x30: {  	v13 =	vld [tilespmem:s29+$0xFFFFFFF0]  }
0x31: {  	v14 =	vld [tilespmem:s29+$0x0]  }
0x32: {  	v15 =	vld [tilespmem:s29+$0x10]  }
0x33: {  	v4 =	vld [tilespmem:s29+$0x20];
	vm1 =	vlt.s32 v6, $0xC300  }
0x34: {  	v3 =	vld [tilespmem:s29+$0x30];
	vm3 =	vlt.s32 v7, $0xC300  }
0x35: {  	v2 =	vld [tilespmem:s29+$0x40];
	vm4 =	vlt.s32 v8, $0xC300  }
0x36: {  	v1 =	vld [tilespmem:s29+$0x50];
	vm11 =	vlt.s32 v9, $0xC300  }
0x37: {  	v0 =	vld [tilespmem:s29+$0x60];
	vm12 =	vlt.s32 v10, $0xC300  }
0x38: {  	v5 =	vld [tilespmem:s29+$0xFFFFFF80];
	vm9 =	vlt.s32 v11, $0xC300  }
0x39: {  	vm10 =	vlt.s32 v12, $0xC300;
	v16 =	vld.idx.msk [tilespmem:v6+s4+$0x0], vm1  }
0x3a: {  	vm8 =	vlt.s32 v13, $0xC300;
	v17 =	vld.idx.msk [tilespmem:v7+s4+$0x0], vm3  }
0x3b: {  	vm7 =	vlt.s32 v14, $0xC300;
	v18 =	vld.idx.msk [tilespmem:v8+s4+$0x0], vm4  }
0x3c: {  	vm6 =	vlt.s32 v15, $0xC300;
	v19 =	vld.idx.msk [tilespmem:v9+s4+$0x0], vm11  }
0x3d: {  	vm2 =	vlt.s32 v4, $0xC300;
	v20 =	vld.idx.msk [tilespmem:v10+s4+$0x0], vm12  }
0x3e: {  	vm5 =	vlt.s32 v5, $0xC300;
	v21 =	vld.idx.msk [tilespmem:v11+s4+$0x0], vm9  }
0x3f: {  	vm0 =	vlt.s32 v3, $0xC300;
	v60 =	vld.idx.msk [tilespmem:v12+s4+$0x0], vm10;
	v6 =	vsel vm1, v16, v6  }
0x40: {  	v61 =	vld.idx.msk [tilespmem:v13+s4+$0x0], vm8;
	vm1 =	vlt.s32 v2, $0xC300;
	[tilespmem:s29+$0x70] =	vst v6;
	v6 =	vsel vm3, v17, v7  }
0x41: {  	v62 =	vld.idx.msk [tilespmem:v14+s4+$0x0], vm7;
	vm3 =	vlt.s32 v1, $0xC300;
	[tilespmem:s29+$0xFFFFFF90] =	vst v6;
	v6 =	vsel vm4, v18, v8  }
0x42: {  	v63 =	vld.idx.msk [tilespmem:v15+s4+$0x0], vm6;
	vm4 =	vlt.s32 v0, $0xC300;
	v8 =	vsel vm12, v20, v10;
	[tilespmem:s29+$0xFFFFFFA0] =	vst v6  }
0x43: {  	v7 =	vld.idx.msk [tilespmem:v4+s4+$0x0], vm2;
	v6 =	vsel vm11, v19, v9;
	[tilespmem:s29+$0xFFFFFFC0] =	vst v8  }
0x44: {  	v8 =	vsel vm9, v21, v11;
	[tilespmem:s29+$0xFFFFFFB0] =	vst v6;
	v6 =	vld.idx.msk [tilespmem:v5+s4+$0x0], vm5  }
0x45: {  	v9 =	vsel vm10, v60, v12;
	[tilespmem:s29+$0xFFFFFFD0] =	vst v8;
	v8 =	vld.idx.msk [tilespmem:v3+s4+$0x0], vm0  }
0x46: {  	v10 =	vsel vm8, v61, v13;
	[tilespmem:s29+$0xFFFFFFE0] =	vst v9;
	v9 =	vld.idx.msk [tilespmem:v2+s4+$0x0], vm1  }
0x47: {  	[tilespmem:s29+$0xFFFFFFF0] =	vst v10;
	v11 =	vsel vm7, v62, v14;
	v10 =	vld.idx.msk [tilespmem:v1+s4+$0x0], vm3  }
0x48: {  	s30 =	simm.s32 $0x18880;
	s1 =	simm.s32 $0x0;
	v12 =	vsel vm6, v63, v15;
	[tilespmem:s29+$0x0] =	vst v11;
	v11 =	vld.idx.msk [tilespmem:v0+s4+$0x0], vm4  }
.LBB2_3:
0x49: {  	v13 =	vld [tilespmem:s30+$0x70];
	s1 =	sadd.s32 $0x100, s1;
	[tilespmem:s29+$0x10] =	vst v12;
	v4 =	vsel vm2, v7, v4  }
0x4a: {  	v5 =	vsel vm5, v6, v5;
	v7 =	vld [tilespmem:s30+$0xFFFFFF90];
	p0 =	slt.u32 s1, $0x1F00;
	[tilespmem:s29+$0x20] =	vst v4  }
0x4b: {  	v3 =	vsel vm0, v8, v3;
	v6 =	vld [tilespmem:s30+$0xFFFFFFA0];
	[tilespmem:s29+$0xFFFFFF80] =	vst v5  }
0x4c: {  	v2 =	vsel vm1, v9, v2;
	v8 =	vld [tilespmem:s30+$0xFFFFFFB0];
	[tilespmem:s29+$0x30] =	vst v3  }
0x4d: {  	v1 =	vsel vm3, v10, v1;
	v9 =	vld [tilespmem:s30+$0xFFFFFFC0];
	[tilespmem:s29+$0x40] =	vst v2  }
0x4e: {  	v0 =	vsel vm4, v11, v0;
	v10 =	vld [tilespmem:s30+$0xFFFFFFD0];
	vm1 =	vlt.s32 v13, $0xC300;
	[tilespmem:s29+$0x50] =	vst v1  }
0x4f: {  	vm12 =	vlt.s32 v7, $0xC300;
	v11 =	vld [tilespmem:s30+$0xFFFFFFE0];
	[tilespmem:s29+$0x60] =	vst v0;
	s29 =	smov.u32 s30  }
0x50: {  	vm14 =	vlt.s32 v6, $0xC300;
	v12 =	vld [tilespmem:s30+$0xFFFFFFF0]  }
0x51: {  	vm13 =	vlt.s32 v8, $0xC300;
	v14 =	vld [tilespmem:s30+$0x0]  }
0x52: {  	vm11 =	vlt.s32 v9, $0xC300;
	v15 =	vld [tilespmem:s30+$0x10]  }
0x53: {  	vm9 =	vlt.s32 v10, $0xC300;
	v4 =	vld [tilespmem:s30+$0x20]  }
0x54: {  	vm10 =	vlt.s32 v11, $0xC300;
	v16 =	vld.idx.msk [tilespmem:v13+s4+$0x0], vm1  }
0x55: {  	vm8 =	vlt.s32 v12, $0xC300;
	v3 =	vld [tilespmem:s30+$0x30]  }
0x56: {  	vm7 =	vlt.s32 v14, $0xC300;
	v2 =	vld [tilespmem:s30+$0x40]  }
0x57: {  	vm6 =	vlt.s32 v15, $0xC300;
	v1 =	vld [tilespmem:s30+$0x50]  }
0x58: {  	vm2 =	vlt.s32 v4, $0xC300;
	v0 =	vld [tilespmem:s30+$0x60]  }
0x59: {  	v5 =	vld [tilespmem:s30+$0xFFFFFF80]  }
0x5a: {  	v13 =	vsel vm1, v16, v13;
	v17 =	vld.idx.msk [tilespmem:v7+s4+$0x0], vm12;
	vm0 =	vlt.s32 v3, $0xC300  }
0x5b: {  	v16 =	vld.idx.msk [tilespmem:v6+s4+$0x0], vm14;
	vm1 =	vlt.s32 v2, $0xC300;
	[tilespmem:s30+$0x70] =	vst v13  }
0x5c: {  	v13 =	vld.idx.msk [tilespmem:v8+s4+$0x0], vm13;
	vm3 =	vlt.s32 v1, $0xC300  }
0x5d: {  	v18 =	vld.idx.msk [tilespmem:v9+s4+$0x0], vm11;
	vm4 =	vlt.s32 v0, $0xC300  }
0x5e: {  	vm5 =	vlt.s32 v5, $0xC300;
	v19 =	vld.idx.msk [tilespmem:v10+s4+$0x0], vm9  }
0x5f: {  	v20 =	vld.idx.msk [tilespmem:v11+s4+$0x0], vm10  }
0x60: {  	v7 =	vsel vm12, v17, v7;
	v17 =	vld.idx.msk [tilespmem:v12+s4+$0x0], vm8  }
0x61: {  	v6 =	vsel vm14, v16, v6;
	[tilespmem:s30+$0xFFFFFF90] =	vst v7;
	v16 =	vld.idx.msk [tilespmem:v14+s4+$0x0], vm7  }
0x62: {  	[tilespmem:s30+$0xFFFFFFA0] =	vst v6;
	v6 =	vsel vm13, v13, v8;
	v13 =	vld.idx.msk [tilespmem:v15+s4+$0x0], vm6  }
0x63: {  	v8 =	vsel vm11, v18, v9;
	[tilespmem:s30+$0xFFFFFFB0] =	vst v6;
	v7 =	vld.idx.msk [tilespmem:v4+s4+$0x0], vm2  }
.Ltmp2:
0x64: {  	v6 =	vld.idx.msk [tilespmem:v5+s4+$0x0], vm5;
	[tilespmem:s30+$0xFFFFFFC0] =	vst v8;
	v8 =	vsel vm9, v19, v10;
	(pc) =	sbr.rel @p0 .LBB2_3-.Ltmp2, $4  }
0x65: {  	v9 =	vsel vm10, v20, v11;
	[tilespmem:s30+$0xFFFFFFD0] =	vst v8;
	v8 =	vld.idx.msk [tilespmem:v3+s4+$0x0], vm0  }
0x66: {  	v10 =	vsel vm8, v17, v12;
	[tilespmem:s30+$0xFFFFFFE0] =	vst v9;
	v9 =	vld.idx.msk [tilespmem:v2+s4+$0x0], vm1  }
0x67: {  	v11 =	vsel vm7, v16, v14;
	[tilespmem:s30+$0xFFFFFFF0] =	vst v10;
	v10 =	vld.idx.msk [tilespmem:v1+s4+$0x0], vm3  }
0x68: {  	v12 =	vsel vm6, v13, v15;
	s30 =	sadd.s32 $0x100, s30;
	[tilespmem:s29+$0x0] =	vst v11;
	v11 =	vld.idx.msk [tilespmem:v0+s4+$0x0], vm4  }
0x69: {  	[tilespmem:s29+$0x10] =	vst v12;
	v4 =	vsel vm2, v7, v4  }
0x6a: {  	v5 =	vsel vm5, v6, v5;
	[tilespmem:s29+$0x20] =	vst v4  }
0x6b: {  	[tilespmem:s29+$0xFFFFFF80] =	vst v5;
	v3 =	vsel vm0, v8, v3  }
0x6c: {  	[tilespmem:s29+$0x30] =	vst v3;
	v2 =	vsel vm1, v9, v2  }
0x6d: {  	[tilespmem:s29+$0x40] =	vst v2;
	v1 =	vsel vm3, v10, v1  }
0x6e: {  	[tilespmem:s29+$0x50] =	vst v1;
	v0 =	vsel vm4, v11, v0  }
0x6f: {  	[tilespmem:s29+$0x60] =	vst v0  }
0x70: {  	_ =	swait.ge [sflag:s22], $0x2000  }
0x71: {  	[sflag:s22] =	ssyncset.done $0x0  }
0x72: {  	s29 =	simm.s32 $0x1A780;
	[sflag:s22] =	ssyncadd.s32 $0xFFFFE000  }
0x73: {  	v6 =	vld [tilespmem:s29+$0x70]  }
0x74: {  	v7 =	vld [tilespmem:s29+$0xFFFFFF90]  }
0x75: {  	v8 =	vld [tilespmem:s29+$0xFFFFFFA0]  }
0x76: {  	v9 =	vld [tilespmem:s29+$0xFFFFFFB0]  }
0x77: {  	v10 =	vld [tilespmem:s29+$0xFFFFFFC0]  }
0x78: {  	v11 =	vld [tilespmem:s29+$0xFFFFFFD0]  }
0x79: {  	v12 =	vld [tilespmem:s29+$0xFFFFFFE0]  }
0x7a: {  	v13 =	vld [tilespmem:s29+$0xFFFFFFF0]  }
0x7b: {  	v14 =	vld [tilespmem:s29+$0x0]  }
0x7c: {  	v15 =	vld [tilespmem:s29+$0x10]  }
0x7d: {  	v4 =	vld [tilespmem:s29+$0x20];
	vm1 =	vlt.s32 v6, $0xC300  }
0x7e: {  	v3 =	vld [tilespmem:s29+$0x30];
	vm3 =	vlt.s32 v7, $0xC300  }
0x7f: {  	v2 =	vld [tilespmem:s29+$0x40];
	vm11 =	vlt.s32 v8, $0xC300  }
0x80: {  	v1 =	vld [tilespmem:s29+$0x50];
	vm13 =	vlt.s32 v10, $0xC300  }
0x81: {  	v0 =	vld [tilespmem:s29+$0x60];
	vm12 =	vlt.s32 v9, $0xC300  }
0x82: {  	v5 =	vld [tilespmem:s29+$0xFFFFFF80];
	vm9 =	vlt.s32 v11, $0xC300  }
0x83: {  	vm10 =	vlt.s32 v12, $0xC300;
	v16 =	vld.idx.msk [tilespmem:v6+s4+$0x0], vm1  }
0x84: {  	vm8 =	vlt.s32 v13, $0xC300;
	v17 =	vld.idx.msk [tilespmem:v7+s4+$0x0], vm3  }
0x85: {  	vm7 =	vlt.s32 v14, $0xC300;
	v18 =	vld.idx.msk [tilespmem:v8+s4+$0x0], vm11  }
0x86: {  	vm6 =	vlt.s32 v15, $0xC300;
	v20 =	vld.idx.msk [tilespmem:v10+s4+$0x0], vm13  }
0x87: {  	vm4 =	vlt.s32 v4, $0xC300;
	v19 =	vld.idx.msk [tilespmem:v9+s4+$0x0], vm12  }
0x88: {  	vm0 =	vlt.s32 v3, $0xC300;
	v21 =	vld.idx.msk [tilespmem:v11+s4+$0x0], vm9  }
0x89: {  	vm5 =	vlt.s32 v5, $0xC300;
	v60 =	vld.idx.msk [tilespmem:v12+s4+$0x0], vm10;
	v6 =	vsel vm1, v16, v6  }
0x8a: {  	vm2 =	vlt.s32 v2, $0xC300;
	v61 =	vld.idx.msk [tilespmem:v13+s4+$0x0], vm8;
	[tilespmem:s29+$0x70] =	vst v6;
	v6 =	vsel vm3, v17, v7  }
0x8b: {  	v62 =	vld.idx.msk [tilespmem:v14+s4+$0x0], vm7;
	vm1 =	vlt.s32 v0, $0xC300;
	v7 =	vsel vm13, v20, v10;
	[tilespmem:s29+$0xFFFFFF90] =	vst v6  }
0x8c: {  	v63 =	vld.idx.msk [tilespmem:v15+s4+$0x0], vm6;
	vm3 =	vlt.s32 v1, $0xC300;
	v6 =	vsel vm11, v18, v8;
	[tilespmem:s29+$0xFFFFFFC0] =	vst v7  }
0x8d: {  	v8 =	vld.idx.msk [tilespmem:v4+s4+$0x0], vm4;
	v7 =	vsel vm9, v21, v11;
	[tilespmem:s29+$0xFFFFFFA0] =	vst v6  }
0x8e: {  	v6 =	vsel vm12, v19, v9;
	[tilespmem:s29+$0xFFFFFFD0] =	vst v7;
	v7 =	vld.idx.msk [tilespmem:v3+s4+$0x0], vm0  }
0x8f: {  	v9 =	vsel vm10, v60, v12;
	[tilespmem:s29+$0xFFFFFFB0] =	vst v6;
	v6 =	vld.idx.msk [tilespmem:v5+s4+$0x0], vm5  }
0x90: {  	v11 =	vsel vm7, v62, v14;
	[tilespmem:s29+$0xFFFFFFE0] =	vst v9;
	v9 =	vld.idx.msk [tilespmem:v2+s4+$0x0], vm2  }
0x91: {  	v10 =	vsel vm8, v61, v13;
	[tilespmem:s29+$0x0] =	vst v11;
	v11 =	vld.idx.msk [tilespmem:v0+s4+$0x0], vm1  }
0x92: {  	s1 =	simm.s32 $0x0;
	s30 =	simm.s32 $0x1A880;
	[tilespmem:s29+$0xFFFFFFF0] =	vst v10;
	v12 =	vsel vm6, v63, v15;
	v10 =	vld.idx.msk [tilespmem:v1+s4+$0x0], vm3  }
.LBB2_5:
0x93: {  	v13 =	vld [tilespmem:s30+$0x70];
	s1 =	sadd.s32 $0x100, s1;
	[tilespmem:s29+$0x10] =	vst v12;
	v4 =	vsel vm4, v8, v4  }
0x94: {  	v5 =	vsel vm5, v6, v5;
	v8 =	vld [tilespmem:s30+$0xFFFFFF90];
	p0 =	slt.u32 s1, $0x1F00;
	[tilespmem:s29+$0x20] =	vst v4  }
0x95: {  	v3 =	vsel vm0, v7, v3;
	v6 =	vld [tilespmem:s30+$0xFFFFFFA0];
	[tilespmem:s29+$0xFFFFFF80] =	vst v5  }
0x96: {  	v2 =	vsel vm2, v9, v2;
	v7 =	vld [tilespmem:s30+$0xFFFFFFB0];
	[tilespmem:s29+$0x30] =	vst v3  }
0x97: {  	v1 =	vsel vm3, v10, v1;
	v9 =	vld [tilespmem:s30+$0xFFFFFFC0];
	[tilespmem:s29+$0x40] =	vst v2  }
0x98: {  	v0 =	vsel vm1, v11, v0;
	v10 =	vld [tilespmem:s30+$0xFFFFFFD0];
	vm2 =	vlt.s32 v13, $0xC300;
	[tilespmem:s29+$0x50] =	vst v1  }
0x99: {  	vm12 =	vlt.s32 v8, $0xC300;
	v11 =	vld [tilespmem:s30+$0xFFFFFFE0];
	[tilespmem:s29+$0x60] =	vst v0;
	s29 =	smov.u32 s30  }
0x9a: {  	vm14 =	vlt.s32 v6, $0xC300;
	v12 =	vld [tilespmem:s30+$0xFFFFFFF0]  }
0x9b: {  	vm13 =	vlt.s32 v7, $0xC300;
	v14 =	vld [tilespmem:s30+$0x0]  }
0x9c: {  	vm11 =	vlt.s32 v9, $0xC300;
	v15 =	vld [tilespmem:s30+$0x10]  }
0x9d: {  	vm9 =	vlt.s32 v10, $0xC300;
	v4 =	vld [tilespmem:s30+$0x20]  }
0x9e: {  	vm10 =	vlt.s32 v11, $0xC300;
	v16 =	vld.idx.msk [tilespmem:v13+s4+$0x0], vm2  }
0x9f: {  	vm8 =	vlt.s32 v12, $0xC300;
	v3 =	vld [tilespmem:s30+$0x30]  }
0xa0: {  	vm7 =	vlt.s32 v14, $0xC300;
	v2 =	vld [tilespmem:s30+$0x40]  }
0xa1: {  	vm6 =	vlt.s32 v15, $0xC300;
	v1 =	vld [tilespmem:s30+$0x50]  }
0xa2: {  	vm4 =	vlt.s32 v4, $0xC300;
	v0 =	vld [tilespmem:s30+$0x60]  }
0xa3: {  	v5 =	vld [tilespmem:s30+$0xFFFFFF80]  }
0xa4: {  	v13 =	vsel vm2, v16, v13;
	v17 =	vld.idx.msk [tilespmem:v8+s4+$0x0], vm12;
	vm0 =	vlt.s32 v3, $0xC300  }
0xa5: {  	v16 =	vld.idx.msk [tilespmem:v6+s4+$0x0], vm14;
	vm2 =	vlt.s32 v2, $0xC300;
	[tilespmem:s30+$0x70] =	vst v13  }
0xa6: {  	v13 =	vld.idx.msk [tilespmem:v7+s4+$0x0], vm13;
	vm3 =	vlt.s32 v1, $0xC300  }
0xa7: {  	v18 =	vld.idx.msk [tilespmem:v9+s4+$0x0], vm11;
	vm1 =	vlt.s32 v0, $0xC300  }
0xa8: {  	vm5 =	vlt.s32 v5, $0xC300;
	v19 =	vld.idx.msk [tilespmem:v10+s4+$0x0], vm9  }
0xa9: {  	v20 =	vld.idx.msk [tilespmem:v11+s4+$0x0], vm10  }
0xaa: {  	v8 =	vsel vm12, v17, v8;
	v17 =	vld.idx.msk [tilespmem:v12+s4+$0x0], vm8  }
0xab: {  	v6 =	vsel vm14, v16, v6;
	[tilespmem:s30+$0xFFFFFF90] =	vst v8;
	v16 =	vld.idx.msk [tilespmem:v14+s4+$0x0], vm7  }
0xac: {  	[tilespmem:s30+$0xFFFFFFA0] =	vst v6;
	v6 =	vsel vm13, v13, v7;
	v13 =	vld.idx.msk [tilespmem:v15+s4+$0x0], vm6  }
0xad: {  	v7 =	vsel vm11, v18, v9;
	[tilespmem:s30+$0xFFFFFFB0] =	vst v6;
	v8 =	vld.idx.msk [tilespmem:v4+s4+$0x0], vm4  }
.Ltmp3:
0xae: {  	v6 =	vld.idx.msk [tilespmem:v5+s4+$0x0], vm5;
	[tilespmem:s30+$0xFFFFFFC0] =	vst v7;
	v7 =	vsel vm9, v19, v10;
	(pc) =	sbr.rel @p0 .LBB2_5-.Ltmp3, $4  }
0xaf: {  	v9 =	vsel vm10, v20, v11;
	[tilespmem:s30+$0xFFFFFFD0] =	vst v7;
	v7 =	vld.idx.msk [tilespmem:v3+s4+$0x0], vm0  }
0xb0: {  	v10 =	vsel vm8, v17, v12;
	[tilespmem:s30+$0xFFFFFFE0] =	vst v9;
	v9 =	vld.idx.msk [tilespmem:v2+s4+$0x0], vm2  }
0xb1: {  	v11 =	vsel vm7, v16, v14;
	[tilespmem:s30+$0xFFFFFFF0] =	vst v10;
	v10 =	vld.idx.msk [tilespmem:v1+s4+$0x0], vm3  }
0xb2: {  	v12 =	vsel vm6, v13, v15;
	s30 =	sadd.s32 $0x100, s30;
	[tilespmem:s29+$0x0] =	vst v11;
	v11 =	vld.idx.msk [tilespmem:v0+s4+$0x0], vm1  }
0xb3: {  	[tilespmem:s29+$0x10] =	vst v12;
	v4 =	vsel vm4, v8, v4  }
0xb4: {  	p0 =	seq.s32 s28, $0x19;
	v5 =	vsel vm5, v6, v5;
	[tilespmem:s29+$0x20] =	vst v4  }
0xb5: {  	s1 =	smul.u32 @!p0 $0x30E000, s28;
	[tilespmem:s29+$0xFFFFFF80] =	vst v5;
	v3 =	vsel vm0, v7, v3  }
0xb6: {  	[tilespmem:s29+$0x30] =	vst v3;
	v2 =	vsel vm2, v9, v2  }
0xb7: {  	s1 =	sadd.s32 @!p0 s1, s10;
	[tilespmem:s29+$0x40] =	vst v2;
	v1 =	vsel vm3, v10, v1  }
0xb8: {  	s30 =	simm.s32 @!p0 $0x400;
	s1 =	sshrl.u32 @!p0 s1, $0x3;
	[tilespmem:s29+$0x50] =	vst v1;
	v0 =	vsel vm1, v11, v0  }
0xb9: {  	s31 =	simm.s32 @!p0 $0x0;
	s1 =	sadd.s32 @!p0 s2, s1;
	[tilespmem:s29+$0x60] =	vst v0;
	s29 =	simm.s32 @!p0 $0x80  }
0xba: {  	[tilespmem:s31], [sflag:$0x1] =	stream.strided.gather @!p0 [hbm4b:s1+s29], $0xC300, s30, s29, $0x38;
	[tilespmem:$0x1C700] =	vst v63  }
0xbb: {  	_ =	swait.ge [sflag:s23], $0xC400  }
0xbc: {  	[sflag:s23] =	ssyncset.done $0x0  }
0xbd: {  	s30 =	simm.s32 $0x18780;
	[sflag:s23] =	ssyncadd.s32 $0xFFFF3C00  }
0xbe: {  	v6 =	vld [tilespmem:s30+$0x70]  }
0xbf: {  	v7 =	vld [tilespmem:s30+$0xFFFFFF90]  }
0xc0: {  	v8 =	vld [tilespmem:s30+$0xFFFFFFA0]  }
0xc1: {  	v9 =	vld [tilespmem:s30+$0xFFFFFFB0]  }
0xc2: {  	v10 =	vld [tilespmem:s30+$0xFFFFFFC0]  }
0xc3: {  	v11 =	vld [tilespmem:s30+$0xFFFFFFD0]  }
0xc4: {  	v12 =	vld [tilespmem:s30+$0xFFFFFFE0]  }
0xc5: {  	v13 =	vld [tilespmem:s30+$0xFFFFFFF0]  }
0xc6: {  	v14 =	vld [tilespmem:s30+$0x0];
	v2 =	vadd.s32 $0xFFFF3D00, v6  }
0xc7: {  	v15 =	vld [tilespmem:s30+$0x10];
	vm2 =	vlt.u32 v2, $0xC3A0  }
0xc8: {  	v0 =	vld [tilespmem:s30+$0x20];
	v16 =	vadd.s32 $0xFFFF3D00, v7  }
0xc9: {  	v1 =	vld [tilespmem:s30+$0x30];
	v17 =	vadd.s32 $0xFFFF3D00, v8;
	vm3 =	vlt.u32 v16, $0xC3A0  }
0xca: {  	v3 =	vld [tilespmem:s30+$0x40];
	v18 =	vadd.s32 $0xFFFF3D00, v9;
	vm4 =	vlt.u32 v17, $0xC3A0  }
0xcb: {  	v4 =	vld [tilespmem:s30+$0x50];
	v20 =	vadd.s32 $0xFFFF3D00, v10;
	vm8 =	vlt.u32 v18, $0xC3A0  }
0xcc: {  	v5 =	vld [tilespmem:s30+$0xFFFFFF80];
	v21 =	vadd.s32 $0xFFFF3D00, v11;
	vm9 =	vlt.u32 v20, $0xC3A0  }
0xcd: {  	v22 =	vadd.s32 $0xFFFF3D00, v12;
	vm10 =	vlt.u32 v21, $0xC3A0;
	v19 =	vld.idx.msk [tilespmem:v2+s17+$0x0], vm2  }
0xce: {  	v23 =	vadd.s32 $0xFFFF3D00, v13;
	vm6 =	vlt.u32 v22, $0xC3A0;
	v2 =	vld [tilespmem:s30+$0x60]  }
0xcf: {  	v24 =	vadd.s32 $0xFFFF3D00, v14;
	vm11 =	vlt.u32 v23, $0xC3A0;
	v16 =	vld.idx.msk [tilespmem:v16+s17+$0x0], vm3  }
0xd0: {  	v25 =	vadd.s32 $0xFFFF3D00, v15;
	vm12 =	vlt.u32 v24, $0xC3A0;
	v17 =	vld.idx.msk [tilespmem:v17+s17+$0x0], vm4  }
0xd1: {  	v26 =	vadd.s32 $0xFFFF3D00, v0;
	vm7 =	vlt.u32 v25, $0xC3A0;
	v18 =	vld.idx.msk [tilespmem:v18+s17+$0x0], vm8  }
0xd2: {  	v27 =	vadd.s32 $0xFFFF3D00, v1;
	vm0 =	vlt.u32 v26, $0xC3A0;
	v20 =	vld.idx.msk [tilespmem:v20+s17+$0x0], vm9  }
0xd3: {  	v28 =	vadd.s32 $0xFFFF3D00, v5;
	vm1 =	vlt.u32 v27, $0xC3A0;
	v21 =	vld.idx.msk [tilespmem:v21+s17+$0x0], vm10  }
0xd4: {  	v29 =	vadd.s32 $0xFFFF3D00, v3;
	vm5 =	vlt.u32 v28, $0xC3A0;
	v58 =	vld.idx.msk [tilespmem:v22+s17+$0x0], vm6;
	v6 =	vsel vm2, v19, v6  }
0xd5: {  	v59 =	vadd.s32 $0xFFFF3D00, v4;
	v60 =	vld.idx.msk [tilespmem:v23+s17+$0x0], vm11;
	vm2 =	vlt.u32 v29, $0xC3A0;
	[tilespmem:s30+$0x70] =	vst v6;
	v6 =	vsel vm3, v16, v7  }
0xd6: {  	v62 =	vld.idx.msk [tilespmem:v24+s17+$0x0], vm12;
	v61 =	vadd.s32 $0xFFFF3D00, v2;
	vm3 =	vlt.u32 v59, $0xC3A0;
	[tilespmem:s30+$0xFFFFFF90] =	vst v6;
	v6 =	vsel vm4, v17, v8  }
0xd7: {  	v63 =	vld.idx.msk [tilespmem:v25+s17+$0x0], vm7;
	vm4 =	vlt.u32 v61, $0xC3A0;
	[tilespmem:s30+$0xFFFFFFA0] =	vst v6;
	v6 =	vsel vm8, v18, v9  }
0xd8: {  	v7 =	vld.idx.msk [tilespmem:v26+s17+$0x0], vm0;
	v9 =	vsel vm10, v21, v11;
	[tilespmem:s30+$0xFFFFFFB0] =	vst v6  }
0xd9: {  	v8 =	vld.idx.msk [tilespmem:v27+s17+$0x0], vm1;
	v6 =	vsel vm9, v20, v10;
	[tilespmem:s30+$0xFFFFFFD0] =	vst v9  }
0xda: {  	v9 =	vsel vm6, v58, v12;
	[tilespmem:s30+$0xFFFFFFC0] =	vst v6;
	v6 =	vld.idx.msk [tilespmem:v28+s17+$0x0], vm5  }
0xdb: {  	v10 =	vsel vm11, v60, v13;
	[tilespmem:s30+$0xFFFFFFE0] =	vst v9;
	v9 =	vld.idx.msk [tilespmem:v29+s17+$0x0], vm2  }
0xdc: {  	v11 =	vsel vm12, v62, v14;
	[tilespmem:s30+$0xFFFFFFF0] =	vst v10;
	v10 =	vld.idx.msk [tilespmem:v59+s17+$0x0], vm3  }
0xdd: {  	s29 =	simm.s32 $0x0;
	s31 =	simm.s32 $0x18880;
	[tilespmem:s30+$0x0] =	vst v11;
	v12 =	vsel vm7, v63, v15;
	v11 =	vld.idx.msk [tilespmem:v61+s17+$0x0], vm4  }
.LBB2_7:
0xde: {  	v13 =	vld [tilespmem:s31+$0x70];
	s29 =	sadd.s32 $0x100, s29;
	[tilespmem:s30+$0x10] =	vst v12;
	v0 =	vsel vm0, v7, v0  }
0xdf: {  	v7 =	vld [tilespmem:s31+$0xFFFFFF90];
	p1 =	slt.u32 s29, $0x1F00;
	[tilespmem:s30+$0x20] =	vst v0;
	v0 =	vsel vm1, v8, v1  }
0xe0: {  	v1 =	vsel vm5, v6, v5;
	v8 =	vld [tilespmem:s31+$0xFFFFFFA0];
	[tilespmem:s30+$0x30] =	vst v0  }
0xe1: {  	v0 =	vsel vm2, v9, v3;
	v6 =	vld [tilespmem:s31+$0xFFFFFFB0];
	[tilespmem:s30+$0xFFFFFF80] =	vst v1  }
0xe2: {  	v9 =	vld [tilespmem:s31+$0xFFFFFFC0];
	[tilespmem:s30+$0x40] =	vst v0;
	v0 =	vsel vm3, v10, v4  }
0xe3: {  	v10 =	vld [tilespmem:s31+$0xFFFFFFD0];
	v3 =	vadd.s32 $0xFFFF3D00, v13;
	[tilespmem:s30+$0x50] =	vst v0;
	v0 =	vsel vm4, v11, v2  }
0xe4: {  	v11 =	vadd.s32 $0xFFFF3D00, v7;
	v12 =	vld [tilespmem:s31+$0xFFFFFFE0];
	vm2 =	vlt.u32 v3, $0xC3A0;
	[tilespmem:s30+$0x60] =	vst v0;
	s30 =	smov.u32 s31  }
0xe5: {  	vm7 =	vlt.u32 v11, $0xC3A0;
	v14 =	vadd.s32 $0xFFFF3D00, v8;
	v15 =	vld [tilespmem:s31+$0xFFFFFFF0]  }
0xe6: {  	vm8 =	vlt.u32 v14, $0xC3A0;
	v16 =	vadd.s32 $0xFFFF3D00, v6;
	v17 =	vld [tilespmem:s31+$0x0]  }
0xe7: {  	vm9 =	vlt.u32 v16, $0xC3A0;
	v18 =	vadd.s32 $0xFFFF3D00, v9;
	v19 =	vld [tilespmem:s31+$0x10]  }
0xe8: {  	vm10 =	vlt.u32 v18, $0xC3A0;
	v20 =	vadd.s32 $0xFFFF3D00, v10;
	v0 =	vld [tilespmem:s31+$0x20]  }
0xe9: {  	vm11 =	vlt.u32 v20, $0xC3A0;
	v21 =	vadd.s32 $0xFFFF3D00, v12;
	v1 =	vld [tilespmem:s31+$0x30]  }
0xea: {  	vm6 =	vlt.u32 v21, $0xC3A0;
	v22 =	vadd.s32 $0xFFFF3D00, v15;
	v23 =	vld.idx.msk [tilespmem:v3+s17+$0x0], vm2  }
0xeb: {  	vm12 =	vlt.u32 v22, $0xC3A0;
	v24 =	vadd.s32 $0xFFFF3D00, v17;
	v3 =	vld [tilespmem:s31+$0x40]  }
0xec: {  	vm13 =	vlt.u32 v24, $0xC3A0;
	v25 =	vadd.s32 $0xFFFF3D00, v19;
	v4 =	vld [tilespmem:s31+$0x50]  }
0xed: {  	vm14 =	vlt.u32 v25, $0xC3A0;
	v26 =	vadd.s32 $0xFFFF3D00, v0;
	v2 =	vld [tilespmem:s31+$0x60]  }
0xee: {  	v5 =	vld [tilespmem:s31+$0xFFFFFF80];
	vm0 =	vlt.u32 v26, $0xC3A0;
	v27 =	vadd.s32 $0xFFFF3D00, v1  }
0xef: {  	v11 =	vld.idx.msk [tilespmem:v11+s17+$0x0], vm7;
	vm1 =	vlt.u32 v27, $0xC3A0  }
0xf0: {  	v13 =	vsel vm2, v23, v13;
	v14 =	vld.idx.msk [tilespmem:v14+s17+$0x0], vm8;
	v28 =	vadd.s32 $0xFFFF3D00, v3  }
0xf1: {  	v16 =	vld.idx.msk [tilespmem:v16+s17+$0x0], vm9;
	vm2 =	vlt.u32 v28, $0xC3A0;
	v23 =	vadd.s32 $0xFFFF3D00, v4;
	[tilespmem:s31+$0x70] =	vst v13  }
0xf2: {  	v13 =	vld.idx.msk [tilespmem:v18+s17+$0x0], vm10;
	vm3 =	vlt.u32 v23, $0xC3A0;
	v18 =	vadd.s32 $0xFFFF3D00, v2  }
0xf3: {  	v29 =	vadd.s32 $0xFFFF3D00, v5;
	v20 =	vld.idx.msk [tilespmem:v20+s17+$0x0], vm11;
	vm4 =	vlt.u32 v18, $0xC3A0  }
0xf4: {  	vm5 =	vlt.u32 v29, $0xC3A0;
	v21 =	vld.idx.msk [tilespmem:v21+s17+$0x0], vm6  }
0xf5: {  	v7 =	vsel vm7, v11, v7;
	v11 =	vld.idx.msk [tilespmem:v22+s17+$0x0], vm12  }
0xf6: {  	[tilespmem:s31+$0xFFFFFF90] =	vst v7;
	v7 =	vsel vm8, v14, v8;
	v14 =	vld.idx.msk [tilespmem:v24+s17+$0x0], vm13  }
0xf7: {  	v6 =	vsel vm9, v16, v6;
	[tilespmem:s31+$0xFFFFFFA0] =	vst v7;
	v16 =	vld.idx.msk [tilespmem:v25+s17+$0x0], vm14  }
0xf8: {  	[tilespmem:s31+$0xFFFFFFB0] =	vst v6;
	v6 =	vsel vm10, v13, v9;
	v7 =	vld.idx.msk [tilespmem:v26+s17+$0x0], vm0  }
.Ltmp4:
0xf9: {  	v9 =	vsel vm11, v20, v10;
	[tilespmem:s31+$0xFFFFFFC0] =	vst v6;
	v8 =	vld.idx.msk [tilespmem:v27+s17+$0x0], vm1;
	(pc) =	sbr.rel @p1 .LBB2_7-.Ltmp4, $4  }
0xfa: {  	v6 =	vld.idx.msk [tilespmem:v29+s17+$0x0], vm5;
	[tilespmem:s31+$0xFFFFFFD0] =	vst v9;
	v9 =	vsel vm6, v21, v12  }
0xfb: {  	v10 =	vsel vm12, v11, v15;
	[tilespmem:s31+$0xFFFFFFE0] =	vst v9;
	v9 =	vld.idx.msk [tilespmem:v28+s17+$0x0], vm2  }
0xfc: {  	v11 =	vsel vm13, v14, v17;
	[tilespmem:s31+$0xFFFFFFF0] =	vst v10;
	v10 =	vld.idx.msk [tilespmem:v23+s17+$0x0], vm3  }
0xfd: {  	v12 =	vsel vm14, v16, v19;
	s31 =	sadd.s32 $0x100, s31;
	[tilespmem:s30+$0x0] =	vst v11;
	v11 =	vld.idx.msk [tilespmem:v18+s17+$0x0], vm4  }
0xfe: {  	[tilespmem:s30+$0x10] =	vst v12;
	v0 =	vsel vm0, v7, v0  }
0xff: {  	[tilespmem:s30+$0x20] =	vst v0;
	v0 =	vsel vm1, v8, v1  }
0x100: {  	s1 =	sshll.u32 s28, $0x13;
	v1 =	vsel vm5, v6, v5;
	[tilespmem:s30+$0x30] =	vst v0  }
0x101: {  	s1 =	sor.u32 s1, s11;
	[tilespmem:s30+$0xFFFFFF80] =	vst v1;
	v0 =	vsel vm2, v9, v3  }
0x102: {  	s1 =	sor.u32 s5, s1;
	[tilespmem:s30+$0x40] =	vst v0;
	v0 =	vsel vm3, v10, v4  }
0x103: {  	s29 =	sshrl.u32 s1, $0x3;
	[tilespmem:s30+$0x50] =	vst v0;
	v0 =	vsel vm4, v11, v2  }
0x104: {  	s1 =	sadd.s32 s3, s29;
	[tilespmem:s30+$0x60] =	vst v0;
	s30 =	simm.s32 $0x1A780  }
0x105: {  	[hbm4b:s1+s15] =	stream.strided.scatter [tilespmem:s18], [sflag:$0x5], $0x2000, s16, s15, $0x38;
	[tilespmem:$0x1C700] =	vst v63  }
0x106: {  	v6 =	vld [tilespmem:s30+$0x70]  }
0x107: {  	v7 =	vld [tilespmem:s30+$0xFFFFFF90]  }
0x108: {  	v8 =	vld [tilespmem:s30+$0xFFFFFFA0]  }
0x109: {  	v9 =	vld [tilespmem:s30+$0xFFFFFFB0]  }
0x10a: {  	v10 =	vld [tilespmem:s30+$0xFFFFFFC0]  }
0x10b: {  	v11 =	vld [tilespmem:s30+$0xFFFFFFD0]  }
0x10c: {  	v12 =	vld [tilespmem:s30+$0xFFFFFFE0]  }
0x10d: {  	v13 =	vld [tilespmem:s30+$0xFFFFFFF0]  }
0x10e: {  	v14 =	vld [tilespmem:s30+$0x0];
	v2 =	vadd.s32 $0xFFFF3D00, v6  }
0x10f: {  	v15 =	vld [tilespmem:s30+$0x10];
	vm2 =	vlt.u32 v2, $0xC3A0  }
0x110: {  	v0 =	vld [tilespmem:s30+$0x20];
	v16 =	vadd.s32 $0xFFFF3D00, v7  }
0x111: {  	v1 =	vld [tilespmem:s30+$0x30];
	v17 =	vadd.s32 $0xFFFF3D00, v8;
	vm3 =	vlt.u32 v16, $0xC3A0  }
0x112: {  	v3 =	vld [tilespmem:s30+$0x50];
	v18 =	vadd.s32 $0xFFFF3D00, v9;
	vm4 =	vlt.u32 v17, $0xC3A0  }
0x113: {  	v4 =	vld [tilespmem:s30+$0x60];
	v20 =	vadd.s32 $0xFFFF3D00, v10;
	vm8 =	vlt.u32 v18, $0xC3A0  }
0x114: {  	v5 =	vld [tilespmem:s30+$0xFFFFFF80];
	v21 =	vadd.s32 $0xFFFF3D00, v11;
	vm9 =	vlt.u32 v20, $0xC3A0  }
0x115: {  	v22 =	vadd.s32 $0xFFFF3D00, v12;
	vm10 =	vlt.u32 v21, $0xC3A0;
	v19 =	vld.idx.msk [tilespmem:v2+s17+$0x0], vm2  }
0x116: {  	v23 =	vadd.s32 $0xFFFF3D00, v13;
	vm6 =	vlt.u32 v22, $0xC3A0;
	v2 =	vld [tilespmem:s30+$0x40]  }
0x117: {  	v24 =	vadd.s32 $0xFFFF3D00, v14;
	vm11 =	vlt.u32 v23, $0xC3A0;
	v16 =	vld.idx.msk [tilespmem:v16+s17+$0x0], vm3  }
0x118: {  	v25 =	vadd.s32 $0xFFFF3D00, v15;
	vm12 =	vlt.u32 v24, $0xC3A0;
	v17 =	vld.idx.msk [tilespmem:v17+s17+$0x0], vm4  }
0x119: {  	v26 =	vadd.s32 $0xFFFF3D00, v0;
	vm7 =	vlt.u32 v25, $0xC3A0;
	v18 =	vld.idx.msk [tilespmem:v18+s17+$0x0], vm8  }
0x11a: {  	v27 =	vadd.s32 $0xFFFF3D00, v1;
	vm0 =	vlt.u32 v26, $0xC3A0;
	v20 =	vld.idx.msk [tilespmem:v20+s17+$0x0], vm9  }
0x11b: {  	v28 =	vadd.s32 $0xFFFF3D00, v5;
	vm1 =	vlt.u32 v27, $0xC3A0;
	v21 =	vld.idx.msk [tilespmem:v21+s17+$0x0], vm10  }
0x11c: {  	vm5 =	vlt.u32 v28, $0xC3A0;
	v58 =	vld.idx.msk [tilespmem:v22+s17+$0x0], vm6;
	v29 =	vadd.s32 $0xFFFF3D00, v2;
	v6 =	vsel vm2, v19, v6  }
0x11d: {  	v59 =	vadd.s32 $0xFFFF3D00, v3;
	v60 =	vld.idx.msk [tilespmem:v23+s17+$0x0], vm11;
	vm2 =	vlt.u32 v29, $0xC3A0;
	[tilespmem:s30+$0x70] =	vst v6;
	v6 =	vsel vm3, v16, v7  }
0x11e: {  	v61 =	vadd.s32 $0xFFFF3D00, v4;
	v62 =	vld.idx.msk [tilespmem:v24+s17+$0x0], vm12;
	vm3 =	vlt.u32 v59, $0xC3A0;
	[tilespmem:s30+$0xFFFFFF90] =	vst v6;
	v6 =	vsel vm4, v17, v8  }
0x11f: {  	v63 =	vld.idx.msk [tilespmem:v25+s17+$0x0], vm7;
	vm4 =	vlt.u32 v61, $0xC3A0;
	[tilespmem:s30+$0xFFFFFFA0] =	vst v6;
	v6 =	vsel vm8, v18, v9  }
0x120: {  	v7 =	vld.idx.msk [tilespmem:v26+s17+$0x0], vm0;
	v9 =	vsel vm10, v21, v11;
	[tilespmem:s30+$0xFFFFFFB0] =	vst v6  }
0x121: {  	v8 =	vld.idx.msk [tilespmem:v27+s17+$0x0], vm1;
	v6 =	vsel vm9, v20, v10;
	[tilespmem:s30+$0xFFFFFFD0] =	vst v9  }
0x122: {  	v9 =	vsel vm6, v58, v12;
	[tilespmem:s30+$0xFFFFFFC0] =	vst v6;
	v6 =	vld.idx.msk [tilespmem:v28+s17+$0x0], vm5  }
0x123: {  	v10 =	vsel vm11, v60, v13;
	[tilespmem:s30+$0xFFFFFFE0] =	vst v9;
	v9 =	vld.idx.msk [tilespmem:v29+s17+$0x0], vm2  }
0x124: {  	v11 =	vsel vm12, v62, v14;
	[tilespmem:s30+$0xFFFFFFF0] =	vst v10;
	v10 =	vld.idx.msk [tilespmem:v59+s17+$0x0], vm3  }
0x125: {  	s31 =	simm.s32 $0x0;
	s1 =	simm.s32 $0x1A880;
	[tilespmem:s30+$0x0] =	vst v11;
	v12 =	vsel vm7, v63, v15;
	v11 =	vld.idx.msk [tilespmem:v61+s17+$0x0], vm4  }
.LBB2_9:
0x126: {  	v13 =	vld [tilespmem:s1+$0x70];
	s31 =	sadd.s32 $0x100, s31;
	[tilespmem:s30+$0x10] =	vst v12;
	v0 =	vsel vm0, v7, v0  }
0x127: {  	v7 =	vld [tilespmem:s1+$0xFFFFFF90];
	p1 =	slt.u32 s31, $0x1F00;
	[tilespmem:s30+$0x20] =	vst v0;
	v0 =	vsel vm1, v8, v1  }
0x128: {  	v1 =	vsel vm5, v6, v5;
	v8 =	vld [tilespmem:s1+$0xFFFFFFA0];
	[tilespmem:s30+$0x30] =	vst v0  }
0x129: {  	v0 =	vsel vm2, v9, v2;
	v6 =	vld [tilespmem:s1+$0xFFFFFFB0];
	[tilespmem:s30+$0xFFFFFF80] =	vst v1  }
0x12a: {  	v9 =	vld [tilespmem:s1+$0xFFFFFFC0];
	[tilespmem:s30+$0x40] =	vst v0;
	v0 =	vsel vm3, v10, v3  }
0x12b: {  	v10 =	vld [tilespmem:s1+$0xFFFFFFD0];
	v2 =	vadd.s32 $0xFFFF3D00, v13;
	[tilespmem:s30+$0x50] =	vst v0;
	v0 =	vsel vm4, v11, v4  }
0x12c: {  	v11 =	vadd.s32 $0xFFFF3D00, v7;
	v12 =	vld [tilespmem:s1+$0xFFFFFFE0];
	vm2 =	vlt.u32 v2, $0xC3A0;
	[tilespmem:s30+$0x60] =	vst v0;
	s30 =	smov.u32 s1  }
0x12d: {  	vm7 =	vlt.u32 v11, $0xC3A0;
	v14 =	vadd.s32 $0xFFFF3D00, v8;
	v15 =	vld [tilespmem:s1+$0xFFFFFFF0]  }
0x12e: {  	vm8 =	vlt.u32 v14, $0xC3A0;
	v16 =	vadd.s32 $0xFFFF3D00, v6;
	v17 =	vld [tilespmem:s1+$0x0]  }
0x12f: {  	vm9 =	vlt.u32 v16, $0xC3A0;
	v18 =	vadd.s32 $0xFFFF3D00, v9;
	v19 =	vld [tilespmem:s1+$0x10]  }
0x130: {  	vm10 =	vlt.u32 v18, $0xC3A0;
	v20 =	vadd.s32 $0xFFFF3D00, v10;
	v0 =	vld [tilespmem:s1+$0x20]  }
0x131: {  	vm11 =	vlt.u32 v20, $0xC3A0;
	v21 =	vadd.s32 $0xFFFF3D00, v12;
	v1 =	vld [tilespmem:s1+$0x30]  }
0x132: {  	vm6 =	vlt.u32 v21, $0xC3A0;
	v22 =	vadd.s32 $0xFFFF3D00, v15;
	v23 =	vld.idx.msk [tilespmem:v2+s17+$0x0], vm2  }
0x133: {  	vm12 =	vlt.u32 v22, $0xC3A0;
	v24 =	vadd.s32 $0xFFFF3D00, v17;
	v2 =	vld [tilespmem:s1+$0x40]  }
0x134: {  	vm13 =	vlt.u32 v24, $0xC3A0;
	v25 =	vadd.s32 $0xFFFF3D00, v19;
	v3 =	vld [tilespmem:s1+$0x50]  }
0x135: {  	vm14 =	vlt.u32 v25, $0xC3A0;
	v26 =	vadd.s32 $0xFFFF3D00, v0;
	v4 =	vld [tilespmem:s1+$0x60]  }
0x136: {  	v5 =	vld [tilespmem:s1+$0xFFFFFF80];
	vm0 =	vlt.u32 v26, $0xC3A0;
	v27 =	vadd.s32 $0xFFFF3D00, v1  }
0x137: {  	v11 =	vld.idx.msk [tilespmem:v11+s17+$0x0], vm7;
	vm1 =	vlt.u32 v27, $0xC3A0  }
0x138: {  	v13 =	vsel vm2, v23, v13;
	v14 =	vld.idx.msk [tilespmem:v14+s17+$0x0], vm8;
	v28 =	vadd.s32 $0xFFFF3D00, v2  }
0x139: {  	v16 =	vld.idx.msk [tilespmem:v16+s17+$0x0], vm9;
	vm2 =	vlt.u32 v28, $0xC3A0;
	v23 =	vadd.s32 $0xFFFF3D00, v3;
	[tilespmem:s1+$0x70] =	vst v13  }
0x13a: {  	v13 =	vld.idx.msk [tilespmem:v18+s17+$0x0], vm10;
	vm3 =	vlt.u32 v23, $0xC3A0;
	v18 =	vadd.s32 $0xFFFF3D00, v4  }
0x13b: {  	v29 =	vadd.s32 $0xFFFF3D00, v5;
	v20 =	vld.idx.msk [tilespmem:v20+s17+$0x0], vm11;
	vm4 =	vlt.u32 v18, $0xC3A0  }
0x13c: {  	vm5 =	vlt.u32 v29, $0xC3A0;
	v21 =	vld.idx.msk [tilespmem:v21+s17+$0x0], vm6  }
0x13d: {  	v7 =	vsel vm7, v11, v7;
	v11 =	vld.idx.msk [tilespmem:v22+s17+$0x0], vm12  }
0x13e: {  	[tilespmem:s1+$0xFFFFFF90] =	vst v7;
	v7 =	vsel vm8, v14, v8;
	v14 =	vld.idx.msk [tilespmem:v24+s17+$0x0], vm13  }
0x13f: {  	v6 =	vsel vm9, v16, v6;
	[tilespmem:s1+$0xFFFFFFA0] =	vst v7;
	v16 =	vld.idx.msk [tilespmem:v25+s17+$0x0], vm14  }
0x140: {  	[tilespmem:s1+$0xFFFFFFB0] =	vst v6;
	v6 =	vsel vm10, v13, v9;
	v7 =	vld.idx.msk [tilespmem:v26+s17+$0x0], vm0  }
.Ltmp5:
0x141: {  	v9 =	vsel vm11, v20, v10;
	[tilespmem:s1+$0xFFFFFFC0] =	vst v6;
	v8 =	vld.idx.msk [tilespmem:v27+s17+$0x0], vm1;
	(pc) =	sbr.rel @p1 .LBB2_9-.Ltmp5, $4  }
0x142: {  	v6 =	vld.idx.msk [tilespmem:v29+s17+$0x0], vm5;
	[tilespmem:s1+$0xFFFFFFD0] =	vst v9;
	v9 =	vsel vm6, v21, v12  }
0x143: {  	v10 =	vsel vm12, v11, v15;
	[tilespmem:s1+$0xFFFFFFE0] =	vst v9;
	v9 =	vld.idx.msk [tilespmem:v28+s17+$0x0], vm2  }
0x144: {  	v11 =	vsel vm13, v14, v17;
	[tilespmem:s1+$0xFFFFFFF0] =	vst v10;
	v10 =	vld.idx.msk [tilespmem:v23+s17+$0x0], vm3  }
0x145: {  	v12 =	vsel vm14, v16, v19;
	s1 =	sadd.s32 $0x100, s1;
	[tilespmem:s30+$0x0] =	vst v11;
	v11 =	vld.idx.msk [tilespmem:v18+s17+$0x0], vm4  }
0x146: {  	[tilespmem:s30+$0x10] =	vst v12;
	v0 =	vsel vm0, v7, v0  }
0x147: {  	v59 =	vsel vm1, v8, v1;
	[tilespmem:s30+$0x20] =	vst v0  }
.Ltmp6:
0x148: {  	v60 =	vsel vm5, v6, v5;
	[tilespmem:s30+$0x30] =	vst v59;
	(pc) =	sbr.rel @p0 .LBB2_12-.Ltmp6, $4  }
0x149: {  	[tilespmem:s30+$0xFFFFFF80] =	vst v60;
	v61 =	vsel vm2, v9, v2  }
0x14a: {  	[tilespmem:s30+$0x40] =	vst v61;
	v62 =	vsel vm3, v10, v3  }
0x14b: {  	[tilespmem:s30+$0x50] =	vst v62;
	v63 =	vsel vm4, v11, v4  }
0x14c: {  	s1 =	sadd.s32 s29, s13;
	[tilespmem:s30+$0x60] =	vst v63  }
0x14d: {  	s29 =	smul.u32 $0x30E000, s28;
	_ =	sdelay $0x1  }
0x14e: {  	s29 =	sadd.s32 s29, s12  }
0x14f: {  	s29 =	sshrl.u32 s29, $0x3  }
0x150: {  	s28 =	sadd.s32 $0x1, s28;
	s29 =	sadd.s32 s2, s29  }
0x151: {  	[tilespmem:s17], [sflag:$0x2] =	stream.strided.gather [hbm4b:s29+s15], $0xC400, s16, s15, $0x38;
	[tilespmem:$0x1C700] =	vst v63  }
.Ltmp7:
0x152: {  	s30 =	sshll.u32 s28, $0x4;
	(pc) =	sbr.rel .LBB2_2-.Ltmp7, $4  }
0x153: {  	[hbm4b:s1+s15] =	stream.strided.scatter [tilespmem:s19], [sflag:$0x6], $0x2000, s16, s15, $0x38;
	[tilespmem:$0x1C700] =	vst v63  }
0x154: {  	s31 =	sshll.u32 s28, $0xB;
	s1 =	sand.u32 $0x70, s30;
	_ =	swait.ge [sflag:s24], $0x2000  }
0x155: {  	s29 =	sand.u32 $0x1C000, s31;
	s1 =	sadd.s32 s6, s1;
	[sflag:s24] =	ssyncset.done $0x0  }
0x156: {  	s1 =	sadd.s32 s29, s1;
	[sflag:s24] =	ssyncadd.s32 $0xFFFFE000  }
.LBB2_13:
0x157: {  	_ =	sfence.sel $0x180000  }
0x158: {  	[bflag:$0x0] =	sbarrier.arrive $0xFFFF  }
0x159: {  	_ =	strace $0x90000047  }
0x15a: {  	[bflag:$0x2] =	sbarrier.arrive $0xFFFF  }
0x15b: {  	p0 =	sne.s32 s0, $0x0;
	s0 =	rddreg [dreg:$0x3]  }
0x15c: {  	s0 =	sadd.s32 @!p0 $0x100000, s0  }
0x15d: {  	[sflag:s0] =	ssyncadd.tile.s32 @!p0 $0x1;
	_ =	shalt  }
.Lfunc_end2:
_tile_overlayer_lowered:
.L_overlay_start_2:
0x15e: {  	(tag) =	ssettag $0x2  }
0x15f: {  	s0 =	rddreg [dreg:$0x0];
	s2 =	stileid.u32  }
0x160: {  	s1 =	rddreg [dreg:$0x1];
	p0 =	sne.s32 s2, $0x0  }
0x161: {  	s3 =	rddreg [dreg:$0x2];
	[bflag:$0x3] =	sbarrier.arrive $0xFFFF;
	s2 =	simm.s32 @!p0 $0x1C07  }
0x162: {  	[timem:s3], [sflag:s2] =	dma.local @!p0 [hbm:s0], s1  }
0x163: {  	s0 =	simm.s32 @!p0 $0x7  }
0x164: {  	_ =	swait.ge @!p0 [sflag:s0], s1  }
0x165: {  	s1 =	ssub.s32 @!p0 $0x0, s1;
	[sflag:s0] =	ssyncset.done @!p0 $0x0  }
0x166: {  	[sflag:s0] =	ssyncadd.s32 @!p0 s1  }
0x167: {  	[bflag:$0x3] =	sbarrier.arrive $0xFFFF  }
0x168: {  	_ =	shalt  }

</sc_bundles>
